<compile_context>
chip_gen: v7x
topology: tpu7x:2x2x1
jax: 0.10.2.dev20260603
libtpu: 0.0.44.dev20260713+nightly
codegen_flags: <defaults>
</compile_context>

<pallas_src>
import functools

import jax
import jax.numpy as jnp
from jax import lax
from jax.experimental import pallas as pl
from jax.experimental.pallas import tpu as pltpu
from jax.experimental.pallas import tpu_sc as plsc

L = 16
NC = 2
NS = 16
NW = NC * NS
IDX_CHUNK = 128
TC_BLOCK = 2048


def _sc_gather(ids_a, ids_b, table2, h2):
    batch = ids_a.shape[0]
    rw2 = table2.shape[1]
    b_per_w = batch // NW
    n_chunks = b_per_w // IDX_CHUNK

    mesh = plsc.VectorSubcoreMesh(core_axis_name="c", subcore_axis_name="s")

    @functools.partial(
        pl.kernel,
        out_type=(
            jax.ShapeDtypeStruct((batch, rw2), jnp.float32),
            jax.ShapeDtypeStruct((batch, rw2), jnp.float32),
        ),
        mesh=mesh,
        scratch_types=[
            pltpu.VMEM((b_per_w,), jnp.int32),
            pltpu.VMEM((b_per_w,), jnp.int32),
            pltpu.VMEM((2, IDX_CHUNK, rw2), jnp.float32),
            pltpu.VMEM((2, IDX_CHUNK, rw2), jnp.float32),
            pltpu.SemaphoreType.DMA,
            pltpu.SemaphoreType.DMA,
        ],
    )
    def sc_kernel(ids_a_hbm, ids_b_hbm, table_hbm, ra_out, rb_out,
                  idxa_v, idxb_v, ga_v, gb_v, sem, out_sem):
        wid = lax.axis_index("s") * NC + lax.axis_index("c")
        base = wid * b_per_w
        pltpu.sync_copy(ids_a_hbm.at[pl.ds(base, b_per_w)], idxa_v)
        pltpu.sync_copy(ids_b_hbm.at[pl.ds(base, b_per_w)], idxb_v)
        for k in range(b_per_w // L):
            sl = pl.ds(k * L, L)
            va = idxa_v[sl]
            vb = idxb_v[sl]
            idxa_v[sl] = jnp.where(va >= h2, va - h2, va)
            idxb_v[sl] = jnp.where(vb >= h2, vb - h2, vb)

        def fire(j):
            buf = j % 2
            isl = pl.ds(j * IDX_CHUNK, IDX_CHUNK)
            return (
                pltpu.async_copy(table_hbm.at[idxa_v.at[isl]], ga_v.at[buf], sem),
                pltpu.async_copy(table_hbm.at[idxb_v.at[isl]], gb_v.at[buf], sem),
            )

        pend_out = {}
        cps = fire(0)
        for j in range(n_chunks):
            nbuf = (j + 1) % 2
            nxt = None
            if j + 1 < n_chunks:
                for cp in pend_out.pop(nbuf, ()):
                    cp.wait()
                nxt = fire(j + 1)
            for cp in cps:
                cp.wait()
            buf = j % 2
            dst = pl.ds(base + j * IDX_CHUNK, IDX_CHUNK)
            pend_out[buf] = (
                pltpu.async_copy(ga_v.at[buf], ra_out.at[dst], out_sem),
                pltpu.async_copy(gb_v.at[buf], rb_out.at[dst], out_sem),
            )
            cps = nxt
        for lst in pend_out.values():
            for cp in lst:
                cp.wait()

    return sc_kernel(ids_a, ids_b, table2)


def _tc_probs(par_a, par_b, rows_a, rows_b, dim):
    batch, rw2 = rows_a.shape

    def body(pa_ref, pb_ref, ra_ref, rb_ref, p_ref, a_ref, b_ref):
        ra_lo = ra_ref[:, : rw2 // 2]
        ra_hi = ra_ref[:, rw2 // 2:]
        rb_lo = rb_ref[:, : rw2 // 2]
        rb_hi = rb_ref[:, rw2 // 2:]
        sa = ra_lo + pa_ref[...] * (ra_hi - ra_lo)
        sb = rb_lo + pb_ref[...] * (rb_hi - rb_lo)
        za, ha = sa[:, :dim], sa[:, dim:]
        zb, hb = sb[:, :dim], sb[:, dim:]
        w = jnp.maximum(jnp.minimum(ha, hb) - jnp.maximum(za, zb), 0.0)
        s = jnp.maximum(ha - za, 0.0)
        q = w / s
        while q.shape[1] > 1:
            h = q.shape[1] // 2
            q = q[:, :h] * q[:, h:]
        p_ref[...] = q.T
        a_ref[...] = sa.T
        b_ref[...] = sb.T

    n_blk = batch // TC_BLOCK
    return pl.pallas_call(
        body,
        grid=(n_blk,),
        in_specs=[
            pl.BlockSpec((TC_BLOCK, 1), lambda i: (i, 0)),
            pl.BlockSpec((TC_BLOCK, 1), lambda i: (i, 0)),
            pl.BlockSpec((TC_BLOCK, rw2), lambda i: (i, 0)),
            pl.BlockSpec((TC_BLOCK, rw2), lambda i: (i, 0)),
        ],
        out_specs=[
            pl.BlockSpec((1, TC_BLOCK), lambda i: (0, i)),
            pl.BlockSpec((rw2 // 2, TC_BLOCK), lambda i: (0, i)),
            pl.BlockSpec((rw2 // 2, TC_BLOCK), lambda i: (0, i)),
        ],
        out_shape=(
            jax.ShapeDtypeStruct((1, batch), jnp.float32),
            jax.ShapeDtypeStruct((rw2 // 2, batch), jnp.float32),
            jax.ShapeDtypeStruct((rw2 // 2, batch), jnp.float32),
        ),
    )(par_a, par_b, rows_a, rows_b)


def _tc_transpose(table_nat):
    rw, v = table_nat.shape
    cb = 8192
    n_blk = (v + 2 * cb - 1) // (2 * cb)
    h2 = n_blk * cb
    last_blk = (v + cb - 1) // cb - 1

    def body(lo_ref, hi_ref, out_ref):
        out_ref[:, :rw] = lo_ref[...].T
        out_ref[:, rw:] = hi_ref[...].T

    out = pl.pallas_call(
        body,
        grid=(n_blk,),
        in_specs=[
            pl.BlockSpec((rw, cb), lambda i: (0, i)),
            pl.BlockSpec((rw, cb), lambda i: (0, jnp.minimum(i + n_blk, last_blk))),
        ],
        out_specs=pl.BlockSpec((cb, 2 * rw), lambda i: (i, 0)),
        out_shape=jax.ShapeDtypeStruct((h2, 2 * rw), jnp.float32),
    )(table_nat, table_nat)
    return out, h2


def kernel(ids, boxes):
    num_models, num_boxes, two, dim = boxes.shape
    batch = ids.shape[1]
    table_nat = jnp.transpose(boxes, (0, 2, 3, 1)).reshape(2 * dim, num_boxes)
    table2, h2 = _tc_transpose(table_nat)
    ids_a, ids_b = ids[0], ids[1]
    rows_a, rows_b = _sc_gather(ids_a, ids_b, table2, h2)
    par_a = (ids_a >= h2).astype(jnp.float32).reshape(batch, 1)
    par_b = (ids_b >= h2).astype(jnp.float32).reshape(batch, 1)
    p, a, b = _tc_probs(par_a, par_b, rows_a, rows_b, dim)
    a = jnp.transpose(a.reshape(two, dim, batch), (2, 0, 1))
    b = jnp.transpose(b.reshape(two, dim, batch), (2, 0, 1))
    return (p.reshape(num_models, batch),
            a.reshape(num_models, batch, two, dim),
            b.reshape(num_models, batch, two, dim))

# --- scband reference (transcript-rebuilt; emitter-appended) ---
"""Pipeline reference for scband-cond-probs-14525579395670 (READ-ONLY COPY).

The authoritative reference and input builder live on the scoring server;
editing this copy changes nothing except your own understanding.
"""

import jax, jax.numpy as jnp
import numpy as np

NUM_MODELS = 1
NUM_BOXES = 1000000
DIM = 32
BATCH = 16384


def clamp_volume(boxes):
    # boxes: (..., 2, dim) -> volume = prod(clamp(max - min, 0))
    z = boxes[..., 0, :]
    Z = boxes[..., 1, :]
    return jnp.prod(jax.nn.relu(Z - z), axis=-1)


def intersection(A, B):
    # A, B: (model, id, 2, dim)
    z = jnp.maximum(A[..., 0, :], B[..., 0, :])
    Z = jnp.minimum(A[..., 1, :], B[..., 1, :])
    return jnp.stack((z, Z), axis=-2)


def setup_inputs(seed: int = 0) -> dict:
    key = jax.random.key(seed)
    k1, k2, k3 = jax.random.split(key, 3)
    # Learned box-embedding parameters: min coord z and side length s>0 so max=z+s.
    z = jax.random.uniform(k1, (NUM_MODELS, NUM_BOXES, DIM), minval=0.0, maxval=0.2)
    side = jax.random.uniform(k2, (NUM_MODELS, NUM_BOXES, DIM), minval=0.5, maxval=0.9)
    boxes = jnp.stack((z, z + side), axis=2)  # (model, num_boxes, 2, dim)
    ids = jax.random.randint(k3, (2, BATCH), 0, NUM_BOXES, dtype=jnp.int32)
    return {"ids": ids, "boxes": boxes}


def reference(ids, boxes):
    # BoxEmbedding.forward: gather pairs of boxes -> (model, id, 2, dim)
    A = jnp.take(boxes, ids[0], axis=1)
    B = jnp.take(boxes, ids[1], axis=1)
    vol_A_int_B = clamp_volume(intersection(A, B))
    vol_A = clamp_volume(A)
    p_B_given_A = vol_A_int_B / vol_A
    # dict output in torch; return as tuple ('P(B|A)', 'A', 'B')
    return (p_B_given_A, A, B)

if __name__ == "__main__":
    import jax
    _d = setup_inputs()
    print(jax.jit(kernel)(*tuple(_d.values())))

</pallas_src>

<mosaic_0001>
#map = affine_map<(d0, d1) -> (0)>
#map1 = affine_map<(d0, d1) -> (0, 0)>
module attributes {stable_mosaic.version = 14 : i64} {
  func.func @sc_kernel(%arg0: i32, %arg1: i32, %arg2: memref<16384xi32, #tpu.memory_space<hbm>>, %arg3: memref<16384xi32, #tpu.memory_space<hbm>>, %arg4: memref<507904x128xf32, #tpu.memory_space<hbm>>, %arg5: memref<16384x128xf32, #tpu.memory_space<hbm>>, %arg6: memref<16384x128xf32, #tpu.memory_space<hbm>>, %arg7: memref<512xi32, #tpu.memory_space<vmem>>, %arg8: memref<512xi32, #tpu.memory_space<vmem>>, %arg9: memref<2x128x128xf32, #tpu.memory_space<vmem>>, %arg10: memref<2x128x128xf32, #tpu.memory_space<vmem>>, %arg11: memref<!tpu.dma_semaphore, #tpu.memory_space<semaphore_mem>>, %arg12: memref<!tpu.dma_semaphore, #tpu.memory_space<semaphore_mem>>) attributes {dimension_semantics = [#tpu.dimension_semantics<core_parallel>, #tpu.dimension_semantics<subcore_parallel>], iteration_bounds = array<i64: 2, 16>, scalar_prefetch = 0 : i64, scratch_operands = 6 : i64, tpu.core_type = #tpu.core_type<sc_vector_subcore>, window_params = [{transform_indices = #map}, {transform_indices = #map}, {transform_indices = #map1}, {transform_indices = #map1}, {transform_indices = #map1}]} {
    %mul3A = arith.constant 2 : i32
    %mul3A_0 = arith.muli %arg1, %mul3A : i32
    %add3A = arith.addi %mul3A_0, %arg0 : i32
    %mul3A_1 = arith.constant 512 : i32
    %mul3A_2 = arith.muli %add3A, %mul3A_1 : i32
    "tpu.region"() ({
      %run_scoped3A = tpu.sem_alloc : memref<!tpu.dma_semaphore, #tpu.memory_space<semaphore_mem>>
      %dma_start3A_1268 = tpu.memref_slice %arg2[%mul3A_2] : memref<16384xi32, #tpu.memory_space<hbm>> -> memref<512xi32, #tpu.memory_space<hbm>>
      %dma_start3A_1269 = tpu.memref_slice %arg2[%mul3A_2] : memref<16384xi32, #tpu.memory_space<hbm>> -> memref<512xi32, #tpu.memory_space<hbm>>
      tpu.enqueue_dma source(%dma_start3A_1269 : memref<512xi32, #tpu.memory_space<hbm>>) target(%arg7 : memref<512xi32, #tpu.memory_space<vmem>>) target_semaphore(%run_scoped3A : memref<!tpu.dma_semaphore, #tpu.memory_space<semaphore_mem>>)
      %dma_wait3A_1270 = tpu.memref_slice %arg2[%mul3A_2] : memref<16384xi32, #tpu.memory_space<hbm>> -> memref<512xi32, #tpu.memory_space<hbm>>
      %dma_wait3A_1271 = tpu.memref_slice %arg2[%mul3A_2] : memref<16384xi32, #tpu.memory_space<hbm>> -> memref<512xi32, #tpu.memory_space<hbm>>
      tpu.wait_dma2 semaphore(%run_scoped3A : memref<!tpu.dma_semaphore, #tpu.memory_space<semaphore_mem>>) src(%dma_wait3A_1271 : memref<512xi32, #tpu.memory_space<hbm>>) dst(%arg7 : memref<512xi32, #tpu.memory_space<vmem>>)
      tpu.yield
    }) : () -> ()
    "tpu.region"() ({
      %run_scoped3A = tpu.sem_alloc : memref<!tpu.dma_semaphore, #tpu.memory_space<semaphore_mem>>
      %dma_start3A_1268 = tpu.memref_slice %arg3[%mul3A_2] : memref<16384xi32, #tpu.memory_space<hbm>> -> memref<512xi32, #tpu.memory_space<hbm>>
      %dma_start3A_1269 = tpu.memref_slice %arg3[%mul3A_2] : memref<16384xi32, #tpu.memory_space<hbm>> -> memref<512xi32, #tpu.memory_space<hbm>>
      tpu.enqueue_dma source(%dma_start3A_1269 : memref<512xi32, #tpu.memory_space<hbm>>) target(%arg8 : memref<512xi32, #tpu.memory_space<vmem>>) target_semaphore(%run_scoped3A : memref<!tpu.dma_semaphore, #tpu.memory_space<semaphore_mem>>)
      %dma_wait3A_1270 = tpu.memref_slice %arg3[%mul3A_2] : memref<16384xi32, #tpu.memory_space<hbm>> -> memref<512xi32, #tpu.memory_space<hbm>>
      %dma_wait3A_1271 = tpu.memref_slice %arg3[%mul3A_2] : memref<16384xi32, #tpu.memory_space<hbm>> -> memref<512xi32, #tpu.memory_space<hbm>>
      tpu.wait_dma2 semaphore(%run_scoped3A : memref<!tpu.dma_semaphore, #tpu.memory_space<semaphore_mem>>) src(%dma_wait3A_1271 : memref<512xi32, #tpu.memory_space<hbm>>) dst(%arg8 : memref<512xi32, #tpu.memory_space<vmem>>)
      tpu.yield
    }) : () -> ()
    %get3A = arith.constant 0 : index
    %get3A_3 = tpu.vector_load %arg7[%get3A] {strides = array<i32>} : memref<512xi32, #tpu.memory_space<vmem>>, vector<16xi32>,
    %get3A_4 = vector.shape_cast %get3A_3 : vector<16xi32> to vector<16xi32>
    %get3A_5 = arith.constant 0 : index
    %get3A_6 = tpu.vector_load %arg8[%get3A_5] {strides = array<i32>} : memref<512xi32, #tpu.memory_space<vmem>>, vector<16xi32>,
    %get3A_7 = vector.shape_cast %get3A_6 : vector<16xi32> to vector<16xi32>
    %ge3A = arith.constant 507904 : i32
    %ge3A_8 = vector.broadcast %ge3A : i32 to vector<16xi32>
    %ge3A_9 = arith.cmpi sge, %get3A_4, %ge3A_8 : vector<16xi32>
    %sub3A = arith.constant 507904 : i32
    %sub3A_10 = vector.broadcast %sub3A : i32 to vector<16xi32>
    %sub3A_11 = arith.subi %get3A_4, %sub3A_10 : vector<16xi32>
    %select_n3A = arith.select %ge3A_9, %sub3A_11, %get3A_4 : vector<16xi1>, vector<16xi32>
    %swap3A = arith.constant 0 : index
    %swap3A_12 = tpu.vector_load %arg7[%swap3A] {strides = array<i32>} : memref<512xi32, #tpu.memory_space<vmem>>, vector<16xi32>,
    %swap3A_13 = vector.shape_cast %swap3A_12 : vector<16xi32> to vector<16xi32>
    %swap3A_14 = vector.shape_cast %select_n3A : vector<16xi32> to vector<16xi32>
    tpu.vector_store %arg7[%swap3A], %swap3A_14 {strides = array<i32>} : memref<512xi32, #tpu.memory_space<vmem>>, vector<16xi32>,
    %ge3A_15 = arith.constant 507904 : i32
    %ge3A_16 = vector.broadcast %ge3A_15 : i32 to vector<16xi32>
    %ge3A_17 = arith.cmpi sge, %get3A_7, %ge3A_16 : vector<16xi32>
    %sub3A_18 = arith.constant 507904 : i32
    %sub3A_19 = vector.broadcast %sub3A_18 : i32 to vector<16xi32>
    %sub3A_20 = arith.subi %get3A_7, %sub3A_19 : vector<16xi32>
    %select_n3A_21 = arith.select %ge3A_17, %sub3A_20, %get3A_7 : vector<16xi1>, vector<16xi32>
    %swap3A_22 = arith.constant 0 : index
    %swap3A_23 = tpu.vector_load %arg8[%swap3A_22] {strides = array<i32>} : memref<512xi32, #tpu.memory_space<vmem>>, vector<16xi32>,
    %swap3A_24 = vector.shape_cast %swap3A_23 : vector<16xi32> to vector<16xi32>
    %swap3A_25 = vector.shape_cast %select_n3A_21 : vector<16xi32> to vector<16xi32>
    tpu.vector_store %arg8[%swap3A_22], %swap3A_25 {strides = array<i32>} : memref<512xi32, #tpu.memory_space<vmem>>, vector<16xi32>,
    %get3A_26 = arith.constant 16 : index
    %get3A_27 = tpu.vector_load %arg7[%get3A_26] {strides = array<i32>} : memref<512xi32, #tpu.memory_space<vmem>>, vector<16xi32>,
    %get3A_28 = vector.shape_cast %get3A_27 : vector<16xi32> to vector<16xi32>
    %get3A_29 = arith.constant 16 : index
    %get3A_30 = tpu.vector_load %arg8[%get3A_29] {strides = array<i32>} : memref<512xi32, #tpu.memory_space<vmem>>, vector<16xi32>,
    %get3A_31 = vector.shape_cast %get3A_30 : vector<16xi32> to vector<16xi32>
    %ge3A_32 = arith.constant 507904 : i32
    %ge3A_33 = vector.broadcast %ge3A_32 : i32 to vector<16xi32>
    %ge3A_34 = arith.cmpi sge, %get3A_28, %ge3A_33 : vector<16xi32>
    %sub3A_35 = arith.constant 507904 : i32
    %sub3A_36 = vector.broadcast %sub3A_35 : i32 to vector<16xi32>
    %sub3A_37 = arith.subi %get3A_28, %sub3A_36 : vector<16xi32>
    %select_n3A_38 = arith.select %ge3A_34, %sub3A_37, %get3A_28 : vector<16xi1>, vector<16xi32>
    %swap3A_39 = arith.constant 16 : index
    %swap3A_40 = tpu.vector_load %arg7[%swap3A_39] {strides = array<i32>} : memref<512xi32, #tpu.memory_space<vmem>>, vector<16xi32>,
    %swap3A_41 = vector.shape_cast %swap3A_40 : vector<16xi32> to vector<16xi32>
    %swap3A_42 = vector.shape_cast %select_n3A_38 : vector<16xi32> to vector<16xi32>
    tpu.vector_store %arg7[%swap3A_39], %swap3A_42 {strides = array<i32>} : memref<512xi32, #tpu.memory_space<vmem>>, vector<16xi32>,
    %ge3A_43 = arith.constant 507904 : i32
    %ge3A_44 = vector.broadcast %ge3A_43 : i32 to vector<16xi32>
    %ge3A_45 = arith.cmpi sge, %get3A_31, %ge3A_44 : vector<16xi32>
    %sub3A_46 = arith.constant 507904 : i32
    %sub3A_47 = vector.broadcast %sub3A_46 : i32 to vector<16xi32>
    %sub3A_48 = arith.subi %get3A_31, %sub3A_47 : vector<16xi32>
    %select_n3A_49 = arith.select %ge3A_45, %sub3A_48, %get3A_31 : vector<16xi1>, vector<16xi32>
    %swap3A_50 = arith.constant 16 : index
    %swap3A_51 = tpu.vector_load %arg8[%swap3A_50] {strides = array<i32>} : memref<512xi32, #tpu.memory_space<vmem>>, vector<16xi32>,
    %swap3A_52 = vector.shape_cast %swap3A_51 : vector<16xi32> to vector<16xi32>
    %swap3A_53 = vector.shape_cast %select_n3A_49 : vector<16xi32> to vector<16xi32>
    tpu.vector_store %arg8[%swap3A_50], %swap3A_53 {strides = array<i32>} : memref<512xi32, #tpu.memory_space<vmem>>, vector<16xi32>,
    %get3A_54 = arith.constant 32 : index
    %get3A_55 = tpu.vector_load %arg7[%get3A_54] {strides = array<i32>} : memref<512xi32, #tpu.memory_space<vmem>>, vector<16xi32>,
    %get3A_56 = vector.shape_cast %get3A_55 : vector<16xi32> to vector<16xi32>
    %get3A_57 = arith.constant 32 : index
    %get3A_58 = tpu.vector_load %arg8[%get3A_57] {strides = array<i32>} : memref<512xi32, #tpu.memory_space<vmem>>, vector<16xi32>,
    %get3A_59 = vector.shape_cast %get3A_58 : vector<16xi32> to vector<16xi32>
    %ge3A_60 = arith.constant 507904 : i32
    %ge3A_61 = vector.broadcast %ge3A_60 : i32 to vector<16xi32>
    %ge3A_62 = arith.cmpi sge, %get3A_56, %ge3A_61 : vector<16xi32>
    %sub3A_63 = arith.constant 507904 : i32
    %sub3A_64 = vector.broadcast %sub3A_63 : i32 to vector<16xi32>
    %sub3A_65 = arith.subi %get3A_56, %sub3A_64 : vector<16xi32>
    %select_n3A_66 = arith.select %ge3A_62, %sub3A_65, %get3A_56 : vector<16xi1>, vector<16xi32>
    %swap3A_67 = arith.constant 32 : index
    %swap3A_68 = tpu.vector_load %arg7[%swap3A_67] {strides = array<i32>} : memref<512xi32, #tpu.memory_space<vmem>>, vector<16xi32>,
    %swap3A_69 = vector.shape_cast %swap3A_68 : vector<16xi32> to vector<16xi32>
    %swap3A_70 = vector.shape_cast %select_n3A_66 : vector<16xi32> to vector<16xi32>
    tpu.vector_store %arg7[%swap3A_67], %swap3A_70 {strides = array<i32>} : memref<512xi32, #tpu.memory_space<vmem>>, vector<16xi32>,
    %ge3A_71 = arith.constant 507904 : i32
    %ge3A_72 = vector.broadcast %ge3A_71 : i32 to vector<16xi32>
    %ge3A_73 = arith.cmpi sge, %get3A_59, %ge3A_72 : vector<16xi32>
    %sub3A_74 = arith.constant 507904 : i32
    %sub3A_75 = vector.broadcast %sub3A_74 : i32 to vector<16xi32>
    %sub3A_76 = arith.subi %get3A_59, %sub3A_75 : vector<16xi32>
    %select_n3A_77 = arith.select %ge3A_73, %sub3A_76, %get3A_59 : vector<16xi1>, vector<16xi32>
    %swap3A_78 = arith.constant 32 : index
    %swap3A_79 = tpu.vector_load %arg8[%swap3A_78] {strides = array<i32>} : memref<512xi32, #tpu.memory_space<vmem>>, vector<16xi32>,
    %swap3A_80 = vector.shape_cast %swap3A_79 : vector<16xi32> to vector<16xi32>
    %swap3A_81 = vector.shape_cast %select_n3A_77 : vector<16xi32> to vector<16xi32>
    tpu.vector_store %arg8[%swap3A_78], %swap3A_81 {strides = array<i32>} : memref<512xi32, #tpu.memory_space<vmem>>, vector<16xi32>,
    %get3A_82 = arith.constant 48 : index
    %get3A_83 = tpu.vector_load %arg7[%get3A_82] {strides = array<i32>} : memref<512xi32, #tpu.memory_space<vmem>>, vector<16xi32>,
    %get3A_84 = vector.shape_cast %get3A_83 : vector<16xi32> to vector<16xi32>
    %get3A_85 = arith.constant 48 : index
    %get3A_86 = tpu.vector_load %arg8[%get3A_85] {strides = array<i32>} : memref<512xi32, #tpu.memory_space<vmem>>, vector<16xi32>,
    %get3A_87 = vector.shape_cast %get3A_86 : vector<16xi32> to vector<16xi32>
    %ge3A_88 = arith.constant 507904 : i32
    %ge3A_89 = vector.broadcast %ge3A_88 : i32 to vector<16xi32>
    %ge3A_90 = arith.cmpi sge, %get3A_84, %ge3A_89 : vector<16xi32>
    %sub3A_91 = arith.constant 507904 : i32
    %sub3A_92 = vector.broadcast %sub3A_91 : i32 to vector<16xi32>
    %sub3A_93 = arith.subi %get3A_84, %sub3A_92 : vector<16xi32>
    %select_n3A_94 = arith.select %ge3A_90, %sub3A_93, %get3A_84 : vector<16xi1>, vector<16xi32>
    %swap3A_95 = arith.constant 48 : index
    %swap3A_96 = tpu.vector_load %arg7[%swap3A_95] {strides = array<i32>} : memref<512xi32, #tpu.memory_space<vmem>>, vector<16xi32>,
    %swap3A_97 = vector.shape_cast %swap3A_96 : vector<16xi32> to vector<16xi32>
    %swap3A_98 = vector.shape_cast %select_n3A_94 : vector<16xi32> to vector<16xi32>
    tpu.vector_store %arg7[%swap3A_95], %swap3A_98 {strides = array<i32>} : memref<512xi32, #tpu.memory_space<vmem>>, vector<16xi32>,
    %ge3A_99 = arith.constant 507904 : i32
    %ge3A_100 = vector.broadcast %ge3A_99 : i32 to vector<16xi32>
    %ge3A_101 = arith.cmpi sge, %get3A_87, %ge3A_100 : vector<16xi32>
    %sub3A_102 = arith.constant 507904 : i32
    %sub3A_103 = vector.broadcast %sub3A_102 : i32 to vector<16xi32>
    %sub3A_104 = arith.subi %get3A_87, %sub3A_103 : vector<16xi32>
    %select_n3A_105 = arith.select %ge3A_101, %sub3A_104, %get3A_87 : vector<16xi1>, vector<16xi32>
    %swap3A_106 = arith.constant 48 : index
    %swap3A_107 = tpu.vector_load %arg8[%swap3A_106] {strides = array<i32>} : memref<512xi32, #tpu.memory_space<vmem>>, vector<16xi32>,
    %swap3A_108 = vector.shape_cast %swap3A_107 : vector<16xi32> to vector<16xi32>
    %swap3A_109 = vector.shape_cast %select_n3A_105 : vector<16xi32> to vector<16xi32>
    tpu.vector_store %arg8[%swap3A_106], %swap3A_109 {strides = array<i32>} : memref<512xi32, #tpu.memory_space<vmem>>, vector<16xi32>,
    %get3A_110 = arith.constant 64 : index
    %get3A_111 = tpu.vector_load %arg7[%get3A_110] {strides = array<i32>} : memref<512xi32, #tpu.memory_space<vmem>>, vector<16xi32>,
    %get3A_112 = vector.shape_cast %get3A_111 : vector<16xi32> to vector<16xi32>
    %get3A_113 = arith.constant 64 : index
    %get3A_114 = tpu.vector_load %arg8[%get3A_113] {strides = array<i32>} : memref<512xi32, #tpu.memory_space<vmem>>, vector<16xi32>,
    %get3A_115 = vector.shape_cast %get3A_114 : vector<16xi32> to vector<16xi32>
    %ge3A_116 = arith.constant 507904 : i32
    %ge3A_117 = vector.broadcast %ge3A_116 : i32 to vector<16xi32>
    %ge3A_118 = arith.cmpi sge, %get3A_112, %ge3A_117 : vector<16xi32>
    %sub3A_119 = arith.constant 507904 : i32
    %sub3A_120 = vector.broadcast %sub3A_119 : i32 to vector<16xi32>
    %sub3A_121 = arith.subi %get3A_112, %sub3A_120 : vector<16xi32>
    %select_n3A_122 = arith.select %ge3A_118, %sub3A_121, %get3A_112 : vector<16xi1>, vector<16xi32>
    %swap3A_123 = arith.constant 64 : index
    %swap3A_124 = tpu.vector_load %arg7[%swap3A_123] {strides = array<i32>} : memref<512xi32, #tpu.memory_space<vmem>>, vector<16xi32>,
    %swap3A_125 = vector.shape_cast %swap3A_124 : vector<16xi32> to vector<16xi32>
    %swap3A_126 = vector.shape_cast %select_n3A_122 : vector<16xi32> to vector<16xi32>
    tpu.vector_store %arg7[%swap3A_123], %swap3A_126 {strides = array<i32>} : memref<512xi32, #tpu.memory_space<vmem>>, vector<16xi32>,
    %ge3A_127 = arith.constant 507904 : i32
    %ge3A_128 = vector.broadcast %ge3A_127 : i32 to vector<16xi32>
    %ge3A_129 = arith.cmpi sge, %get3A_115, %ge3A_128 : vector<16xi32>
    %sub3A_130 = arith.constant 507904 : i32
    %sub3A_131 = vector.broadcast %sub3A_130 : i32 to vector<16xi32>
    %sub3A_132 = arith.subi %get3A_115, %sub3A_131 : vector<16xi32>
    %select_n3A_133 = arith.select %ge3A_129, %sub3A_132, %get3A_115 : vector<16xi1>, vector<16xi32>
    %swap3A_134 = arith.constant 64 : index
    %swap3A_135 = tpu.vector_load %arg8[%swap3A_134] {strides = array<i32>} : memref<512xi32, #tpu.memory_space<vmem>>, vector<16xi32>,
    %swap3A_136 = vector.shape_cast %swap3A_135 : vector<16xi32> to vector<16xi32>
    %swap3A_137 = vector.shape_cast %select_n3A_133 : vector<16xi32> to vector<16xi32>
    tpu.vector_store %arg8[%swap3A_134], %swap3A_137 {strides = array<i32>} : memref<512xi32, #tpu.memory_space<vmem>>, vector<16xi32>,
    %get3A_138 = arith.constant 80 : index
    %get3A_139 = tpu.vector_load %arg7[%get3A_138] {strides = array<i32>} : memref<512xi32, #tpu.memory_space<vmem>>, vector<16xi32>,
    %get3A_140 = vector.shape_cast %get3A_139 : vector<16xi32> to vector<16xi32>
    %get3A_141 = arith.constant 80 : index
    %get3A_142 = tpu.vector_load %arg8[%get3A_141] {strides = array<i32>} : memref<512xi32, #tpu.memory_space<vmem>>, vector<16xi32>,
    %get3A_143 = vector.shape_cast %get3A_142 : vector<16xi32> to vector<16xi32>
    %ge3A_144 = arith.constant 507904 : i32
    %ge3A_145 = vector.broadcast %ge3A_144 : i32 to vector<16xi32>
    %ge3A_146 = arith.cmpi sge, %get3A_140, %ge3A_145 : vector<16xi32>
    %sub3A_147 = arith.constant 507904 : i32
    %sub3A_148 = vector.broadcast %sub3A_147 : i32 to vector<16xi32>
    %sub3A_149 = arith.subi %get3A_140, %sub3A_148 : vector<16xi32>
    %select_n3A_150 = arith.select %ge3A_146, %sub3A_149, %get3A_140 : vector<16xi1>, vector<16xi32>
    %swap3A_151 = arith.constant 80 : index
    %swap3A_152 = tpu.vector_load %arg7[%swap3A_151] {strides = array<i32>} : memref<512xi32, #tpu.memory_space<vmem>>, vector<16xi32>,
    %swap3A_153 = vector.shape_cast %swap3A_152 : vector<16xi32> to vector<16xi32>
    %swap3A_154 = vector.shape_cast %select_n3A_150 : vector<16xi32> to vector<16xi32>
    tpu.vector_store %arg7[%swap3A_151], %swap3A_154 {strides = array<i32>} : memref<512xi32, #tpu.memory_space<vmem>>, vector<16xi32>,
    %ge3A_155 = arith.constant 507904 : i32
    %ge3A_156 = vector.broadcast %ge3A_155 : i32 to vector<16xi32>
    %ge3A_157 = arith.cmpi sge, %get3A_143, %ge3A_156 : vector<16xi32>
    %sub3A_158 = arith.constant 507904 : i32
    %sub3A_159 = vector.broadcast %sub3A_158 : i32 to vector<16xi32>
    %sub3A_160 = arith.subi %get3A_143, %sub3A_159 : vector<16xi32>
    %select_n3A_161 = arith.select %ge3A_157, %sub3A_160, %get3A_143 : vector<16xi1>, vector<16xi32>
    %swap3A_162 = arith.constant 80 : index
    %swap3A_163 = tpu.vector_load %arg8[%swap3A_162] {strides = array<i32>} : memref<512xi32, #tpu.memory_space<vmem>>, vector<16xi32>,
    %swap3A_164 = vector.shape_cast %swap3A_163 : vector<16xi32> to vector<16xi32>
    %swap3A_165 = vector.shape_cast %select_n3A_161 : vector<16xi32> to vector<16xi32>
    tpu.vector_store %arg8[%swap3A_162], %swap3A_165 {strides = array<i32>} : memref<512xi32, #tpu.memory_space<vmem>>, vector<16xi32>,
    %get3A_166 = arith.constant 96 : index
    %get3A_167 = tpu.vector_load %arg7[%get3A_166] {strides = array<i32>} : memref<512xi32, #tpu.memory_space<vmem>>, vector<16xi32>,
    %get3A_168 = vector.shape_cast %get3A_167 : vector<16xi32> to vector<16xi32>
    %get3A_169 = arith.constant 96 : index
    %get3A_170 = tpu.vector_load %arg8[%get3A_169] {strides = array<i32>} : memref<512xi32, #tpu.memory_space<vmem>>, vector<16xi32>,
    %get3A_171 = vector.shape_cast %get3A_170 : vector<16xi32> to vector<16xi32>
    %ge3A_172 = arith.constant 507904 : i32
    %ge3A_173 = vector.broadcast %ge3A_172 : i32 to vector<16xi32>
    %ge3A_174 = arith.cmpi sge, %get3A_168, %ge3A_173 : vector<16xi32>
    %sub3A_175 = arith.constant 507904 : i32
    %sub3A_176 = vector.broadcast %sub3A_175 : i32 to vector<16xi32>
    %sub3A_177 = arith.subi %get3A_168, %sub3A_176 : vector<16xi32>
    %select_n3A_178 = arith.select %ge3A_174, %sub3A_177, %get3A_168 : vector<16xi1>, vector<16xi32>
    %swap3A_179 = arith.constant 96 : index
    %swap3A_180 = tpu.vector_load %arg7[%swap3A_179] {strides = array<i32>} : memref<512xi32, #tpu.memory_space<vmem>>, vector<16xi32>,
    %swap3A_181 = vector.shape_cast %swap3A_180 : vector<16xi32> to vector<16xi32>
    %swap3A_182 = vector.shape_cast %select_n3A_178 : vector<16xi32> to vector<16xi32>
    tpu.vector_store %arg7[%swap3A_179], %swap3A_182 {strides = array<i32>} : memref<512xi32, #tpu.memory_space<vmem>>, vector<16xi32>,
    %ge3A_183 = arith.constant 507904 : i32
    %ge3A_184 = vector.broadcast %ge3A_183 : i32 to vector<16xi32>
    %ge3A_185 = arith.cmpi sge, %get3A_171, %ge3A_184 : vector<16xi32>
    %sub3A_186 = arith.constant 507904 : i32
    %sub3A_187 = vector.broadcast %sub3A_186 : i32 to vector<16xi32>
    %sub3A_188 = arith.subi %get3A_171, %sub3A_187 : vector<16xi32>
    %select_n3A_189 = arith.select %ge3A_185, %sub3A_188, %get3A_171 : vector<16xi1>, vector<16xi32>
    %swap3A_190 = arith.constant 96 : index
    %swap3A_191 = tpu.vector_load %arg8[%swap3A_190] {strides = array<i32>} : memref<512xi32, #tpu.memory_space<vmem>>, vector<16xi32>,
    %swap3A_192 = vector.shape_cast %swap3A_191 : vector<16xi32> to vector<16xi32>
    %swap3A_193 = vector.shape_cast %select_n3A_189 : vector<16xi32> to vector<16xi32>
    tpu.vector_store %arg8[%swap3A_190], %swap3A_193 {strides = array<i32>} : memref<512xi32, #tpu.memory_space<vmem>>, vector<16xi32>,
    %get3A_194 = arith.constant 112 : index
    %get3A_195 = tpu.vector_load %arg7[%get3A_194] {strides = array<i32>} : memref<512xi32, #tpu.memory_space<vmem>>, vector<16xi32>,
    %get3A_196 = vector.shape_cast %get3A_195 : vector<16xi32> to vector<16xi32>
    %get3A_197 = arith.constant 112 : index
    %get3A_198 = tpu.vector_load %arg8[%get3A_197] {strides = array<i32>} : memref<512xi32, #tpu.memory_space<vmem>>, vector<16xi32>,
    %get3A_199 = vector.shape_cast %get3A_198 : vector<16xi32> to vector<16xi32>
    %ge3A_200 = arith.constant 507904 : i32
    %ge3A_201 = vector.broadcast %ge3A_200 : i32 to vector<16xi32>
    %ge3A_202 = arith.cmpi sge, %get3A_196, %ge3A_201 : vector<16xi32>
    %sub3A_203 = arith.constant 507904 : i32
    %sub3A_204 = vector.broadcast %sub3A_203 : i32 to vector<16xi32>
    %sub3A_205 = arith.subi %get3A_196, %sub3A_204 : vector<16xi32>
    %select_n3A_206 = arith.select %ge3A_202, %sub3A_205, %get3A_196 : vector<16xi1>, vector<16xi32>
    %swap3A_207 = arith.constant 112 : index
    %swap3A_208 = tpu.vector_load %arg7[%swap3A_207] {strides = array<i32>} : memref<512xi32, #tpu.memory_space<vmem>>, vector<16xi32>,
    %swap3A_209 = vector.shape_cast %swap3A_208 : vector<16xi32> to vector<16xi32>
    %swap3A_210 = vector.shape_cast %select_n3A_206 : vector<16xi32> to vector<16xi32>
    tpu.vector_store %arg7[%swap3A_207], %swap3A_210 {strides = array<i32>} : memref<512xi32, #tpu.memory_space<vmem>>, vector<16xi32>,
    %ge3A_211 = arith.constant 507904 : i32
    %ge3A_212 = vector.broadcast %ge3A_211 : i32 to vector<16xi32>
    %ge3A_213 = arith.cmpi sge, %get3A_199, %ge3A_212 : vector<16xi32>
    %sub3A_214 = arith.constant 507904 : i32
    %sub3A_215 = vector.broadcast %sub3A_214 : i32 to vector<16xi32>
    %sub3A_216 = arith.subi %get3A_199, %sub3A_215 : vector<16xi32>
    %select_n3A_217 = arith.select %ge3A_213, %sub3A_216, %get3A_199 : vector<16xi1>, vector<16xi32>
    %swap3A_218 = arith.constant 112 : index
    %swap3A_219 = tpu.vector_load %arg8[%swap3A_218] {strides = array<i32>} : memref<512xi32, #tpu.memory_space<vmem>>, vector<16xi32>,
    %swap3A_220 = vector.shape_cast %swap3A_219 : vector<16xi32> to vector<16xi32>
    %swap3A_221 = vector.shape_cast %select_n3A_217 : vector<16xi32> to vector<16xi32>
    tpu.vector_store %arg8[%swap3A_218], %swap3A_221 {strides = array<i32>} : memref<512xi32, #tpu.memory_space<vmem>>, vector<16xi32>,
    %get3A_222 = arith.constant 128 : index
    %get3A_223 = tpu.vector_load %arg7[%get3A_222] {strides = array<i32>} : memref<512xi32, #tpu.memory_space<vmem>>, vector<16xi32>,
    %get3A_224 = vector.shape_cast %get3A_223 : vector<16xi32> to vector<16xi32>
    %get3A_225 = arith.constant 128 : index
    %get3A_226 = tpu.vector_load %arg8[%get3A_225] {strides = array<i32>} : memref<512xi32, #tpu.memory_space<vmem>>, vector<16xi32>,
    %get3A_227 = vector.shape_cast %get3A_226 : vector<16xi32> to vector<16xi32>
    %ge3A_228 = arith.constant 507904 : i32
    %ge3A_229 = vector.broadcast %ge3A_228 : i32 to vector<16xi32>
    %ge3A_230 = arith.cmpi sge, %get3A_224, %ge3A_229 : vector<16xi32>
    %sub3A_231 = arith.constant 507904 : i32
    %sub3A_232 = vector.broadcast %sub3A_231 : i32 to vector<16xi32>
    %sub3A_233 = arith.subi %get3A_224, %sub3A_232 : vector<16xi32>
    %select_n3A_234 = arith.select %ge3A_230, %sub3A_233, %get3A_224 : vector<16xi1>, vector<16xi32>
    %swap3A_235 = arith.constant 128 : index
    %swap3A_236 = tpu.vector_load %arg7[%swap3A_235] {strides = array<i32>} : memref<512xi32, #tpu.memory_space<vmem>>, vector<16xi32>,
    %swap3A_237 = vector.shape_cast %swap3A_236 : vector<16xi32> to vector<16xi32>
    %swap3A_238 = vector.shape_cast %select_n3A_234 : vector<16xi32> to vector<16xi32>
    tpu.vector_store %arg7[%swap3A_235], %swap3A_238 {strides = array<i32>} : memref<512xi32, #tpu.memory_space<vmem>>, vector<16xi32>,
    %ge3A_239 = arith.constant 507904 : i32
    %ge3A_240 = vector.broadcast %ge3A_239 : i32 to vector<16xi32>
    %ge3A_241 = arith.cmpi sge, %get3A_227, %ge3A_240 : vector<16xi32>
    %sub3A_242 = arith.constant 507904 : i32
    %sub3A_243 = vector.broadcast %sub3A_242 : i32 to vector<16xi32>
    %sub3A_244 = arith.subi %get3A_227, %sub3A_243 : vector<16xi32>
    %select_n3A_245 = arith.select %ge3A_241, %sub3A_244, %get3A_227 : vector<16xi1>, vector<16xi32>
    %swap3A_246 = arith.constant 128 : index
    %swap3A_247 = tpu.vector_load %arg8[%swap3A_246] {strides = array<i32>} : memref<512xi32, #tpu.memory_space<vmem>>, vector<16xi32>,
    %swap3A_248 = vector.shape_cast %swap3A_247 : vector<16xi32> to vector<16xi32>
    %swap3A_249 = vector.shape_cast %select_n3A_245 : vector<16xi32> to vector<16xi32>
    tpu.vector_store %arg8[%swap3A_246], %swap3A_249 {strides = array<i32>} : memref<512xi32, #tpu.memory_space<vmem>>, vector<16xi32>,
    %get3A_250 = arith.constant 144 : index
    %get3A_251 = tpu.vector_load %arg7[%get3A_250] {strides = array<i32>} : memref<512xi32, #tpu.memory_space<vmem>>, vector<16xi32>,
    %get3A_252 = vector.shape_cast %get3A_251 : vector<16xi32> to vector<16xi32>
    %get3A_253 = arith.constant 144 : index
    %get3A_254 = tpu.vector_load %arg8[%get3A_253] {strides = array<i32>} : memref<512xi32, #tpu.memory_space<vmem>>, vector<16xi32>,
    %get3A_255 = vector.shape_cast %get3A_254 : vector<16xi32> to vector<16xi32>
    %ge3A_256 = arith.constant 507904 : i32
    %ge3A_257 = vector.broadcast %ge3A_256 : i32 to vector<16xi32>
    %ge3A_258 = arith.cmpi sge, %get3A_252, %ge3A_257 : vector<16xi32>
    %sub3A_259 = arith.constant 507904 : i32
    %sub3A_260 = vector.broadcast %sub3A_259 : i32 to vector<16xi32>
    %sub3A_261 = arith.subi %get3A_252, %sub3A_260 : vector<16xi32>
    %select_n3A_262 = arith.select %ge3A_258, %sub3A_261, %get3A_252 : vector<16xi1>, vector<16xi32>
    %swap3A_263 = arith.constant 144 : index
    %swap3A_264 = tpu.vector_load %arg7[%swap3A_263] {strides = array<i32>} : memref<512xi32, #tpu.memory_space<vmem>>, vector<16xi32>,
    %swap3A_265 = vector.shape_cast %swap3A_264 : vector<16xi32> to vector<16xi32>
    %swap3A_266 = vector.shape_cast %select_n3A_262 : vector<16xi32> to vector<16xi32>
    tpu.vector_store %arg7[%swap3A_263], %swap3A_266 {strides = array<i32>} : memref<512xi32, #tpu.memory_space<vmem>>, vector<16xi32>,
    %ge3A_267 = arith.constant 507904 : i32
    %ge3A_268 = vector.broadcast %ge3A_267 : i32 to vector<16xi32>
    %ge3A_269 = arith.cmpi sge, %get3A_255, %ge3A_268 : vector<16xi32>
    %sub3A_270 = arith.constant 507904 : i32
    %sub3A_271 = vector.broadcast %sub3A_270 : i32 to vector<16xi32>
    %sub3A_272 = arith.subi %get3A_255, %sub3A_271 : vector<16xi32>
    %select_n3A_273 = arith.select %ge3A_269, %sub3A_272, %get3A_255 : vector<16xi1>, vector<16xi32>
    %swap3A_274 = arith.constant 144 : index
    %swap3A_275 = tpu.vector_load %arg8[%swap3A_274] {strides = array<i32>} : memref<512xi32, #tpu.memory_space<vmem>>, vector<16xi32>,
    %swap3A_276 = vector.shape_cast %swap3A_275 : vector<16xi32> to vector<16xi32>
    %swap3A_277 = vector.shape_cast %select_n3A_273 : vector<16xi32> to vector<16xi32>
    tpu.vector_store %arg8[%swap3A_274], %swap3A_277 {strides = array<i32>} : memref<512xi32, #tpu.memory_space<vmem>>, vector<16xi32>,
    %get3A_278 = arith.constant 160 : index
    %get3A_279 = tpu.vector_load %arg7[%get3A_278] {strides = array<i32>} : memref<512xi32, #tpu.memory_space<vmem>>, vector<16xi32>,
    %get3A_280 = vector.shape_cast %get3A_279 : vector<16xi32> to vector<16xi32>
    %get3A_281 = arith.constant 160 : index
    %get3A_282 = tpu.vector_load %arg8[%get3A_281] {strides = array<i32>} : memref<512xi32, #tpu.memory_space<vmem>>, vector<16xi32>,
    %get3A_283 = vector.shape_cast %get3A_282 : vector<16xi32> to vector<16xi32>
    %ge3A_284 = arith.constant 507904 : i32
    %ge3A_285 = vector.broadcast %ge3A_284 : i32 to vector<16xi32>
    %ge3A_286 = arith.cmpi sge, %get3A_280, %ge3A_285 : vector<16xi32>
    %sub3A_287 = arith.constant 507904 : i32
    %sub3A_288 = vector.broadcast %sub3A_287 : i32 to vector<16xi32>
    %sub3A_289 = arith.subi %get3A_280, %sub3A_288 : vector<16xi32>
    %select_n3A_290 = arith.select %ge3A_286, %sub3A_289, %get3A_280 : vector<16xi1>, vector<16xi32>
    %swap3A_291 = arith.constant 160 : index
    %swap3A_292 = tpu.vector_load %arg7[%swap3A_291] {strides = array<i32>} : memref<512xi32, #tpu.memory_space<vmem>>, vector<16xi32>,
    %swap3A_293 = vector.shape_cast %swap3A_292 : vector<16xi32> to vector<16xi32>
    %swap3A_294 = vector.shape_cast %select_n3A_290 : vector<16xi32> to vector<16xi32>
    tpu.vector_store %arg7[%swap3A_291], %swap3A_294 {strides = array<i32>} : memref<512xi32, #tpu.memory_space<vmem>>, vector<16xi32>,
    %ge3A_295 = arith.constant 507904 : i32
    %ge3A_296 = vector.broadcast %ge3A_295 : i32 to vector<16xi32>
    %ge3A_297 = arith.cmpi sge, %get3A_283, %ge3A_296 : vector<16xi32>
    %sub3A_298 = arith.constant 507904 : i32
    %sub3A_299 = vector.broadcast %sub3A_298 : i32 to vector<16xi32>
    %sub3A_300 = arith.subi %get3A_283, %sub3A_299 : vector<16xi32>
    %select_n3A_301 = arith.select %ge3A_297, %sub3A_300, %get3A_283 : vector<16xi1>, vector<16xi32>
    %swap3A_302 = arith.constant 160 : index
    %swap3A_303 = tpu.vector_load %arg8[%swap3A_302] {strides = array<i32>} : memref<512xi32, #tpu.memory_space<vmem>>, vector<16xi32>,
    %swap3A_304 = vector.shape_cast %swap3A_303 : vector<16xi32> to vector<16xi32>
    %swap3A_305 = vector.shape_cast %select_n3A_301 : vector<16xi32> to vector<16xi32>
    tpu.vector_store %arg8[%swap3A_302], %swap3A_305 {strides = array<i32>} : memref<512xi32, #tpu.memory_space<vmem>>, vector<16xi32>,
    %get3A_306 = arith.constant 176 : index
    %get3A_307 = tpu.vector_load %arg7[%get3A_306] {strides = array<i32>} : memref<512xi32, #tpu.memory_space<vmem>>, vector<16xi32>,
    %get3A_308 = vector.shape_cast %get3A_307 : vector<16xi32> to vector<16xi32>
    %get3A_309 = arith.constant 176 : index
    %get3A_310 = tpu.vector_load %arg8[%get3A_309] {strides = array<i32>} : memref<512xi32, #tpu.memory_space<vmem>>, vector<16xi32>,
    %get3A_311 = vector.shape_cast %get3A_310 : vector<16xi32> to vector<16xi32>
    %ge3A_312 = arith.constant 507904 : i32
    %ge3A_313 = vector.broadcast %ge3A_312 : i32 to vector<16xi32>
    %ge3A_314 = arith.cmpi sge, %get3A_308, %ge3A_313 : vector<16xi32>
    %sub3A_315 = arith.constant 507904 : i32
    %sub3A_316 = vector.broadcast %sub3A_315 : i32 to vector<16xi32>
    %sub3A_317 = arith.subi %get3A_308, %sub3A_316 : vector<16xi32>
    %select_n3A_318 = arith.select %ge3A_314, %sub3A_317, %get3A_308 : vector<16xi1>, vector<16xi32>
    %swap3A_319 = arith.constant 176 : index
    %swap3A_320 = tpu.vector_load %arg7[%swap3A_319] {strides = array<i32>} : memref<512xi32, #tpu.memory_space<vmem>>, vector<16xi32>,
    %swap3A_321 = vector.shape_cast %swap3A_320 : vector<16xi32> to vector<16xi32>
    %swap3A_322 = vector.shape_cast %select_n3A_318 : vector<16xi32> to vector<16xi32>
    tpu.vector_store %arg7[%swap3A_319], %swap3A_322 {strides = array<i32>} : memref<512xi32, #tpu.memory_space<vmem>>, vector<16xi32>,
    %ge3A_323 = arith.constant 507904 : i32
    %ge3A_324 = vector.broadcast %ge3A_323 : i32 to vector<16xi32>
    %ge3A_325 = arith.cmpi sge, %get3A_311, %ge3A_324 : vector<16xi32>
    %sub3A_326 = arith.constant 507904 : i32
    %sub3A_327 = vector.broadcast %sub3A_326 : i32 to vector<16xi32>
    %sub3A_328 = arith.subi %get3A_311, %sub3A_327 : vector<16xi32>
    %select_n3A_329 = arith.select %ge3A_325, %sub3A_328, %get3A_311 : vector<16xi1>, vector<16xi32>
    %swap3A_330 = arith.constant 176 : index
    %swap3A_331 = tpu.vector_load %arg8[%swap3A_330] {strides = array<i32>} : memref<512xi32, #tpu.memory_space<vmem>>, vector<16xi32>,
    %swap3A_332 = vector.shape_cast %swap3A_331 : vector<16xi32> to vector<16xi32>
    %swap3A_333 = vector.shape_cast %select_n3A_329 : vector<16xi32> to vector<16xi32>
    tpu.vector_store %arg8[%swap3A_330], %swap3A_333 {strides = array<i32>} : memref<512xi32, #tpu.memory_space<vmem>>, vector<16xi32>,
    %get3A_334 = arith.constant 192 : index
    %get3A_335 = tpu.vector_load %arg7[%get3A_334] {strides = array<i32>} : memref<512xi32, #tpu.memory_space<vmem>>, vector<16xi32>,
    %get3A_336 = vector.shape_cast %get3A_335 : vector<16xi32> to vector<16xi32>
    %get3A_337 = arith.constant 192 : index
    %get3A_338 = tpu.vector_load %arg8[%get3A_337] {strides = array<i32>} : memref<512xi32, #tpu.memory_space<vmem>>, vector<16xi32>,
    %get3A_339 = vector.shape_cast %get3A_338 : vector<16xi32> to vector<16xi32>
    %ge3A_340 = arith.constant 507904 : i32
    %ge3A_341 = vector.broadcast %ge3A_340 : i32 to vector<16xi32>
    %ge3A_342 = arith.cmpi sge, %get3A_336, %ge3A_341 : vector<16xi32>
    %sub3A_343 = arith.constant 507904 : i32
    %sub3A_344 = vector.broadcast %sub3A_343 : i32 to vector<16xi32>
    %sub3A_345 = arith.subi %get3A_336, %sub3A_344 : vector<16xi32>
    %select_n3A_346 = arith.select %ge3A_342, %sub3A_345, %get3A_336 : vector<16xi1>, vector<16xi32>
    %swap3A_347 = arith.constant 192 : index
    %swap3A_348 = tpu.vector_load %arg7[%swap3A_347] {strides = array<i32>} : memref<512xi32, #tpu.memory_space<vmem>>, vector<16xi32>,
    %swap3A_349 = vector.shape_cast %swap3A_348 : vector<16xi32> to vector<16xi32>
    %swap3A_350 = vector.shape_cast %select_n3A_346 : vector<16xi32> to vector<16xi32>
    tpu.vector_store %arg7[%swap3A_347], %swap3A_350 {strides = array<i32>} : memref<512xi32, #tpu.memory_space<vmem>>, vector<16xi32>,
    %ge3A_351 = arith.constant 507904 : i32
    %ge3A_352 = vector.broadcast %ge3A_351 : i32 to vector<16xi32>
    %ge3A_353 = arith.cmpi sge, %get3A_339, %ge3A_352 : vector<16xi32>
    %sub3A_354 = arith.constant 507904 : i32
    %sub3A_355 = vector.broadcast %sub3A_354 : i32 to vector<16xi32>
    %sub3A_356 = arith.subi %get3A_339, %sub3A_355 : vector<16xi32>
    %select_n3A_357 = arith.select %ge3A_353, %sub3A_356, %get3A_339 : vector<16xi1>, vector<16xi32>
    %swap3A_358 = arith.constant 192 : index
    %swap3A_359 = tpu.vector_load %arg8[%swap3A_358] {strides = array<i32>} : memref<512xi32, #tpu.memory_space<vmem>>, vector<16xi32>,
    %swap3A_360 = vector.shape_cast %swap3A_359 : vector<16xi32> to vector<16xi32>
    %swap3A_361 = vector.shape_cast %select_n3A_357 : vector<16xi32> to vector<16xi32>
    tpu.vector_store %arg8[%swap3A_358], %swap3A_361 {strides = array<i32>} : memref<512xi32, #tpu.memory_space<vmem>>, vector<16xi32>,
    %get3A_362 = arith.constant 208 : index
    %get3A_363 = tpu.vector_load %arg7[%get3A_362] {strides = array<i32>} : memref<512xi32, #tpu.memory_space<vmem>>, vector<16xi32>,
    %get3A_364 = vector.shape_cast %get3A_363 : vector<16xi32> to vector<16xi32>
    %get3A_365 = arith.constant 208 : index
    %get3A_366 = tpu.vector_load %arg8[%get3A_365] {strides = array<i32>} : memref<512xi32, #tpu.memory_space<vmem>>, vector<16xi32>,
    %get3A_367 = vector.shape_cast %get3A_366 : vector<16xi32> to vector<16xi32>
    %ge3A_368 = arith.constant 507904 : i32
    %ge3A_369 = vector.broadcast %ge3A_368 : i32 to vector<16xi32>
    %ge3A_370 = arith.cmpi sge, %get3A_364, %ge3A_369 : vector<16xi32>
    %sub3A_371 = arith.constant 507904 : i32
    %sub3A_372 = vector.broadcast %sub3A_371 : i32 to vector<16xi32>
    %sub3A_373 = arith.subi %get3A_364, %sub3A_372 : vector<16xi32>
    %select_n3A_374 = arith.select %ge3A_370, %sub3A_373, %get3A_364 : vector<16xi1>, vector<16xi32>
    %swap3A_375 = arith.constant 208 : index
    %swap3A_376 = tpu.vector_load %arg7[%swap3A_375] {strides = array<i32>} : memref<512xi32, #tpu.memory_space<vmem>>, vector<16xi32>,
    %swap3A_377 = vector.shape_cast %swap3A_376 : vector<16xi32> to vector<16xi32>
    %swap3A_378 = vector.shape_cast %select_n3A_374 : vector<16xi32> to vector<16xi32>
    tpu.vector_store %arg7[%swap3A_375], %swap3A_378 {strides = array<i32>} : memref<512xi32, #tpu.memory_space<vmem>>, vector<16xi32>,
    %ge3A_379 = arith.constant 507904 : i32
    %ge3A_380 = vector.broadcast %ge3A_379 : i32 to vector<16xi32>
    %ge3A_381 = arith.cmpi sge, %get3A_367, %ge3A_380 : vector<16xi32>
    %sub3A_382 = arith.constant 507904 : i32
    %sub3A_383 = vector.broadcast %sub3A_382 : i32 to vector<16xi32>
    %sub3A_384 = arith.subi %get3A_367, %sub3A_383 : vector<16xi32>
    %select_n3A_385 = arith.select %ge3A_381, %sub3A_384, %get3A_367 : vector<16xi1>, vector<16xi32>
    %swap3A_386 = arith.constant 208 : index
    %swap3A_387 = tpu.vector_load %arg8[%swap3A_386] {strides = array<i32>} : memref<512xi32, #tpu.memory_space<vmem>>, vector<16xi32>,
    %swap3A_388 = vector.shape_cast %swap3A_387 : vector<16xi32> to vector<16xi32>
    %swap3A_389 = vector.shape_cast %select_n3A_385 : vector<16xi32> to vector<16xi32>
    tpu.vector_store %arg8[%swap3A_386], %swap3A_389 {strides = array<i32>} : memref<512xi32, #tpu.memory_space<vmem>>, vector<16xi32>,
    %get3A_390 = arith.constant 224 : index
    %get3A_391 = tpu.vector_load %arg7[%get3A_390] {strides = array<i32>} : memref<512xi32, #tpu.memory_space<vmem>>, vector<16xi32>,
    %get3A_392 = vector.shape_cast %get3A_391 : vector<16xi32> to vector<16xi32>
    %get3A_393 = arith.constant 224 : index
    %get3A_394 = tpu.vector_load %arg8[%get3A_393] {strides = array<i32>} : memref<512xi32, #tpu.memory_space<vmem>>, vector<16xi32>,
    %get3A_395 = vector.shape_cast %get3A_394 : vector<16xi32> to vector<16xi32>
    %ge3A_396 = arith.constant 507904 : i32
    %ge3A_397 = vector.broadcast %ge3A_396 : i32 to vector<16xi32>
    %ge3A_398 = arith.cmpi sge, %get3A_392, %ge3A_397 : vector<16xi32>
    %sub3A_399 = arith.constant 507904 : i32
    %sub3A_400 = vector.broadcast %sub3A_399 : i32 to vector<16xi32>
    %sub3A_401 = arith.subi %get3A_392, %sub3A_400 : vector<16xi32>
    %select_n3A_402 = arith.select %ge3A_398, %sub3A_401, %get3A_392 : vector<16xi1>, vector<16xi32>
    %swap3A_403 = arith.constant 224 : index
    %swap3A_404 = tpu.vector_load %arg7[%swap3A_403] {strides = array<i32>} : memref<512xi32, #tpu.memory_space<vmem>>, vector<16xi32>,
    %swap3A_405 = vector.shape_cast %swap3A_404 : vector<16xi32> to vector<16xi32>
    %swap3A_406 = vector.shape_cast %select_n3A_402 : vector<16xi32> to vector<16xi32>
    tpu.vector_store %arg7[%swap3A_403], %swap3A_406 {strides = array<i32>} : memref<512xi32, #tpu.memory_space<vmem>>, vector<16xi32>,
    %ge3A_407 = arith.constant 507904 : i32
    %ge3A_408 = vector.broadcast %ge3A_407 : i32 to vector<16xi32>
    %ge3A_409 = arith.cmpi sge, %get3A_395, %ge3A_408 : vector<16xi32>
    %sub3A_410 = arith.constant 507904 : i32
    %sub3A_411 = vector.broadcast %sub3A_410 : i32 to vector<16xi32>
    %sub3A_412 = arith.subi %get3A_395, %sub3A_411 : vector<16xi32>
    %select_n3A_413 = arith.select %ge3A_409, %sub3A_412, %get3A_395 : vector<16xi1>, vector<16xi32>
    %swap3A_414 = arith.constant 224 : index
    %swap3A_415 = tpu.vector_load %arg8[%swap3A_414] {strides = array<i32>} : memref<512xi32, #tpu.memory_space<vmem>>, vector<16xi32>,
    %swap3A_416 = vector.shape_cast %swap3A_415 : vector<16xi32> to vector<16xi32>
    %swap3A_417 = vector.shape_cast %select_n3A_413 : vector<16xi32> to vector<16xi32>
    tpu.vector_store %arg8[%swap3A_414], %swap3A_417 {strides = array<i32>} : memref<512xi32, #tpu.memory_space<vmem>>, vector<16xi32>,
    %get3A_418 = arith.constant 240 : index
    %get3A_419 = tpu.vector_load %arg7[%get3A_418] {strides = array<i32>} : memref<512xi32, #tpu.memory_space<vmem>>, vector<16xi32>,
    %get3A_420 = vector.shape_cast %get3A_419 : vector<16xi32> to vector<16xi32>
    %get3A_421 = arith.constant 240 : index
    %get3A_422 = tpu.vector_load %arg8[%get3A_421] {strides = array<i32>} : memref<512xi32, #tpu.memory_space<vmem>>, vector<16xi32>,
    %get3A_423 = vector.shape_cast %get3A_422 : vector<16xi32> to vector<16xi32>
    %ge3A_424 = arith.constant 507904 : i32
    %ge3A_425 = vector.broadcast %ge3A_424 : i32 to vector<16xi32>
    %ge3A_426 = arith.cmpi sge, %get3A_420, %ge3A_425 : vector<16xi32>
    %sub3A_427 = arith.constant 507904 : i32
    %sub3A_428 = vector.broadcast %sub3A_427 : i32 to vector<16xi32>
    %sub3A_429 = arith.subi %get3A_420, %sub3A_428 : vector<16xi32>
    %select_n3A_430 = arith.select %ge3A_426, %sub3A_429, %get3A_420 : vector<16xi1>, vector<16xi32>
    %swap3A_431 = arith.constant 240 : index
    %swap3A_432 = tpu.vector_load %arg7[%swap3A_431] {strides = array<i32>} : memref<512xi32, #tpu.memory_space<vmem>>, vector<16xi32>,
    %swap3A_433 = vector.shape_cast %swap3A_432 : vector<16xi32> to vector<16xi32>
    %swap3A_434 = vector.shape_cast %select_n3A_430 : vector<16xi32> to vector<16xi32>
    tpu.vector_store %arg7[%swap3A_431], %swap3A_434 {strides = array<i32>} : memref<512xi32, #tpu.memory_space<vmem>>, vector<16xi32>,
    %ge3A_435 = arith.constant 507904 : i32
    %ge3A_436 = vector.broadcast %ge3A_435 : i32 to vector<16xi32>
    %ge3A_437 = arith.cmpi sge, %get3A_423, %ge3A_436 : vector<16xi32>
    %sub3A_438 = arith.constant 507904 : i32
    %sub3A_439 = vector.broadcast %sub3A_438 : i32 to vector<16xi32>
    %sub3A_440 = arith.subi %get3A_423, %sub3A_439 : vector<16xi32>
    %select_n3A_441 = arith.select %ge3A_437, %sub3A_440, %get3A_423 : vector<16xi1>, vector<16xi32>
    %swap3A_442 = arith.constant 240 : index
    %swap3A_443 = tpu.vector_load %arg8[%swap3A_442] {strides = array<i32>} : memref<512xi32, #tpu.memory_space<vmem>>, vector<16xi32>,
    %swap3A_444 = vector.shape_cast %swap3A_443 : vector<16xi32> to vector<16xi32>
    %swap3A_445 = vector.shape_cast %select_n3A_441 : vector<16xi32> to vector<16xi32>
    tpu.vector_store %arg8[%swap3A_442], %swap3A_445 {strides = array<i32>} : memref<512xi32, #tpu.memory_space<vmem>>, vector<16xi32>,
    %get3A_446 = arith.constant 256 : index
    %get3A_447 = tpu.vector_load %arg7[%get3A_446] {strides = array<i32>} : memref<512xi32, #tpu.memory_space<vmem>>, vector<16xi32>,
    %get3A_448 = vector.shape_cast %get3A_447 : vector<16xi32> to vector<16xi32>
    %get3A_449 = arith.constant 256 : index
    %get3A_450 = tpu.vector_load %arg8[%get3A_449] {strides = array<i32>} : memref<512xi32, #tpu.memory_space<vmem>>, vector<16xi32>,
    %get3A_451 = vector.shape_cast %get3A_450 : vector<16xi32> to vector<16xi32>
    %ge3A_452 = arith.constant 507904 : i32
    %ge3A_453 = vector.broadcast %ge3A_452 : i32 to vector<16xi32>
    %ge3A_454 = arith.cmpi sge, %get3A_448, %ge3A_453 : vector<16xi32>
    %sub3A_455 = arith.constant 507904 : i32
    %sub3A_456 = vector.broadcast %sub3A_455 : i32 to vector<16xi32>
    %sub3A_457 = arith.subi %get3A_448, %sub3A_456 : vector<16xi32>
    %select_n3A_458 = arith.select %ge3A_454, %sub3A_457, %get3A_448 : vector<16xi1>, vector<16xi32>
    %swap3A_459 = arith.constant 256 : index
    %swap3A_460 = tpu.vector_load %arg7[%swap3A_459] {strides = array<i32>} : memref<512xi32, #tpu.memory_space<vmem>>, vector<16xi32>,
    %swap3A_461 = vector.shape_cast %swap3A_460 : vector<16xi32> to vector<16xi32>
    %swap3A_462 = vector.shape_cast %select_n3A_458 : vector<16xi32> to vector<16xi32>
    tpu.vector_store %arg7[%swap3A_459], %swap3A_462 {strides = array<i32>} : memref<512xi32, #tpu.memory_space<vmem>>, vector<16xi32>,
    %ge3A_463 = arith.constant 507904 : i32
    %ge3A_464 = vector.broadcast %ge3A_463 : i32 to vector<16xi32>
    %ge3A_465 = arith.cmpi sge, %get3A_451, %ge3A_464 : vector<16xi32>
    %sub3A_466 = arith.constant 507904 : i32
    %sub3A_467 = vector.broadcast %sub3A_466 : i32 to vector<16xi32>
    %sub3A_468 = arith.subi %get3A_451, %sub3A_467 : vector<16xi32>
    %select_n3A_469 = arith.select %ge3A_465, %sub3A_468, %get3A_451 : vector<16xi1>, vector<16xi32>
    %swap3A_470 = arith.constant 256 : index
    %swap3A_471 = tpu.vector_load %arg8[%swap3A_470] {strides = array<i32>} : memref<512xi32, #tpu.memory_space<vmem>>, vector<16xi32>,
    %swap3A_472 = vector.shape_cast %swap3A_471 : vector<16xi32> to vector<16xi32>
    %swap3A_473 = vector.shape_cast %select_n3A_469 : vector<16xi32> to vector<16xi32>
    tpu.vector_store %arg8[%swap3A_470], %swap3A_473 {strides = array<i32>} : memref<512xi32, #tpu.memory_space<vmem>>, vector<16xi32>,
    %get3A_474 = arith.constant 272 : index
    %get3A_475 = tpu.vector_load %arg7[%get3A_474] {strides = array<i32>} : memref<512xi32, #tpu.memory_space<vmem>>, vector<16xi32>,
    %get3A_476 = vector.shape_cast %get3A_475 : vector<16xi32> to vector<16xi32>
    %get3A_477 = arith.constant 272 : index
    %get3A_478 = tpu.vector_load %arg8[%get3A_477] {strides = array<i32>} : memref<512xi32, #tpu.memory_space<vmem>>, vector<16xi32>,
    %get3A_479 = vector.shape_cast %get3A_478 : vector<16xi32> to vector<16xi32>
    %ge3A_480 = arith.constant 507904 : i32
    %ge3A_481 = vector.broadcast %ge3A_480 : i32 to vector<16xi32>
    %ge3A_482 = arith.cmpi sge, %get3A_476, %ge3A_481 : vector<16xi32>
    %sub3A_483 = arith.constant 507904 : i32
    %sub3A_484 = vector.broadcast %sub3A_483 : i32 to vector<16xi32>
    %sub3A_485 = arith.subi %get3A_476, %sub3A_484 : vector<16xi32>
    %select_n3A_486 = arith.select %ge3A_482, %sub3A_485, %get3A_476 : vector<16xi1>, vector<16xi32>
    %swap3A_487 = arith.constant 272 : index
    %swap3A_488 = tpu.vector_load %arg7[%swap3A_487] {strides = array<i32>} : memref<512xi32, #tpu.memory_space<vmem>>, vector<16xi32>,
    %swap3A_489 = vector.shape_cast %swap3A_488 : vector<16xi32> to vector<16xi32>
    %swap3A_490 = vector.shape_cast %select_n3A_486 : vector<16xi32> to vector<16xi32>
    tpu.vector_store %arg7[%swap3A_487], %swap3A_490 {strides = array<i32>} : memref<512xi32, #tpu.memory_space<vmem>>, vector<16xi32>,
    %ge3A_491 = arith.constant 507904 : i32
    %ge3A_492 = vector.broadcast %ge3A_491 : i32 to vector<16xi32>
    %ge3A_493 = arith.cmpi sge, %get3A_479, %ge3A_492 : vector<16xi32>
    %sub3A_494 = arith.constant 507904 : i32
    %sub3A_495 = vector.broadcast %sub3A_494 : i32 to vector<16xi32>
    %sub3A_496 = arith.subi %get3A_479, %sub3A_495 : vector<16xi32>
    %select_n3A_497 = arith.select %ge3A_493, %sub3A_496, %get3A_479 : vector<16xi1>, vector<16xi32>
    %swap3A_498 = arith.constant 272 : index
    %swap3A_499 = tpu.vector_load %arg8[%swap3A_498] {strides = array<i32>} : memref<512xi32, #tpu.memory_space<vmem>>, vector<16xi32>,
    %swap3A_500 = vector.shape_cast %swap3A_499 : vector<16xi32> to vector<16xi32>
    %swap3A_501 = vector.shape_cast %select_n3A_497 : vector<16xi32> to vector<16xi32>
    tpu.vector_store %arg8[%swap3A_498], %swap3A_501 {strides = array<i32>} : memref<512xi32, #tpu.memory_space<vmem>>, vector<16xi32>,
    %get3A_502 = arith.constant 288 : index
    %get3A_503 = tpu.vector_load %arg7[%get3A_502] {strides = array<i32>} : memref<512xi32, #tpu.memory_space<vmem>>, vector<16xi32>,
    %get3A_504 = vector.shape_cast %get3A_503 : vector<16xi32> to vector<16xi32>
    %get3A_505 = arith.constant 288 : index
    %get3A_506 = tpu.vector_load %arg8[%get3A_505] {strides = array<i32>} : memref<512xi32, #tpu.memory_space<vmem>>, vector<16xi32>,
    %get3A_507 = vector.shape_cast %get3A_506 : vector<16xi32> to vector<16xi32>
    %ge3A_508 = arith.constant 507904 : i32
    %ge3A_509 = vector.broadcast %ge3A_508 : i32 to vector<16xi32>
    %ge3A_510 = arith.cmpi sge, %get3A_504, %ge3A_509 : vector<16xi32>
    %sub3A_511 = arith.constant 507904 : i32
    %sub3A_512 = vector.broadcast %sub3A_511 : i32 to vector<16xi32>
    %sub3A_513 = arith.subi %get3A_504, %sub3A_512 : vector<16xi32>
    %select_n3A_514 = arith.select %ge3A_510, %sub3A_513, %get3A_504 : vector<16xi1>, vector<16xi32>
    %swap3A_515 = arith.constant 288 : index
    %swap3A_516 = tpu.vector_load %arg7[%swap3A_515] {strides = array<i32>} : memref<512xi32, #tpu.memory_space<vmem>>, vector<16xi32>,
    %swap3A_517 = vector.shape_cast %swap3A_516 : vector<16xi32> to vector<16xi32>
    %swap3A_518 = vector.shape_cast %select_n3A_514 : vector<16xi32> to vector<16xi32>
    tpu.vector_store %arg7[%swap3A_515], %swap3A_518 {strides = array<i32>} : memref<512xi32, #tpu.memory_space<vmem>>, vector<16xi32>,
    %ge3A_519 = arith.constant 507904 : i32
    %ge3A_520 = vector.broadcast %ge3A_519 : i32 to vector<16xi32>
    %ge3A_521 = arith.cmpi sge, %get3A_507, %ge3A_520 : vector<16xi32>
    %sub3A_522 = arith.constant 507904 : i32
    %sub3A_523 = vector.broadcast %sub3A_522 : i32 to vector<16xi32>
    %sub3A_524 = arith.subi %get3A_507, %sub3A_523 : vector<16xi32>
    %select_n3A_525 = arith.select %ge3A_521, %sub3A_524, %get3A_507 : vector<16xi1>, vector<16xi32>
    %swap3A_526 = arith.constant 288 : index
    %swap3A_527 = tpu.vector_load %arg8[%swap3A_526] {strides = array<i32>} : memref<512xi32, #tpu.memory_space<vmem>>, vector<16xi32>,
    %swap3A_528 = vector.shape_cast %swap3A_527 : vector<16xi32> to vector<16xi32>
    %swap3A_529 = vector.shape_cast %select_n3A_525 : vector<16xi32> to vector<16xi32>
    tpu.vector_store %arg8[%swap3A_526], %swap3A_529 {strides = array<i32>} : memref<512xi32, #tpu.memory_space<vmem>>, vector<16xi32>,
    %get3A_530 = arith.constant 304 : index
    %get3A_531 = tpu.vector_load %arg7[%get3A_530] {strides = array<i32>} : memref<512xi32, #tpu.memory_space<vmem>>, vector<16xi32>,
    %get3A_532 = vector.shape_cast %get3A_531 : vector<16xi32> to vector<16xi32>
    %get3A_533 = arith.constant 304 : index
    %get3A_534 = tpu.vector_load %arg8[%get3A_533] {strides = array<i32>} : memref<512xi32, #tpu.memory_space<vmem>>, vector<16xi32>,
    %get3A_535 = vector.shape_cast %get3A_534 : vector<16xi32> to vector<16xi32>
    %ge3A_536 = arith.constant 507904 : i32
    %ge3A_537 = vector.broadcast %ge3A_536 : i32 to vector<16xi32>
    %ge3A_538 = arith.cmpi sge, %get3A_532, %ge3A_537 : vector<16xi32>
    %sub3A_539 = arith.constant 507904 : i32
    %sub3A_540 = vector.broadcast %sub3A_539 : i32 to vector<16xi32>
    %sub3A_541 = arith.subi %get3A_532, %sub3A_540 : vector<16xi32>
    %select_n3A_542 = arith.select %ge3A_538, %sub3A_541, %get3A_532 : vector<16xi1>, vector<16xi32>
    %swap3A_543 = arith.constant 304 : index
    %swap3A_544 = tpu.vector_load %arg7[%swap3A_543] {strides = array<i32>} : memref<512xi32, #tpu.memory_space<vmem>>, vector<16xi32>,
    %swap3A_545 = vector.shape_cast %swap3A_544 : vector<16xi32> to vector<16xi32>
    %swap3A_546 = vector.shape_cast %select_n3A_542 : vector<16xi32> to vector<16xi32>
    tpu.vector_store %arg7[%swap3A_543], %swap3A_546 {strides = array<i32>} : memref<512xi32, #tpu.memory_space<vmem>>, vector<16xi32>,
    %ge3A_547 = arith.constant 507904 : i32
    %ge3A_548 = vector.broadcast %ge3A_547 : i32 to vector<16xi32>
    %ge3A_549 = arith.cmpi sge, %get3A_535, %ge3A_548 : vector<16xi32>
    %sub3A_550 = arith.constant 507904 : i32
    %sub3A_551 = vector.broadcast %sub3A_550 : i32 to vector<16xi32>
    %sub3A_552 = arith.subi %get3A_535, %sub3A_551 : vector<16xi32>
    %select_n3A_553 = arith.select %ge3A_549, %sub3A_552, %get3A_535 : vector<16xi1>, vector<16xi32>
    %swap3A_554 = arith.constant 304 : index
    %swap3A_555 = tpu.vector_load %arg8[%swap3A_554] {strides = array<i32>} : memref<512xi32, #tpu.memory_space<vmem>>, vector<16xi32>,
    %swap3A_556 = vector.shape_cast %swap3A_555 : vector<16xi32> to vector<16xi32>
    %swap3A_557 = vector.shape_cast %select_n3A_553 : vector<16xi32> to vector<16xi32>
    tpu.vector_store %arg8[%swap3A_554], %swap3A_557 {strides = array<i32>} : memref<512xi32, #tpu.memory_space<vmem>>, vector<16xi32>,
    %get3A_558 = arith.constant 320 : index
    %get3A_559 = tpu.vector_load %arg7[%get3A_558] {strides = array<i32>} : memref<512xi32, #tpu.memory_space<vmem>>, vector<16xi32>,
    %get3A_560 = vector.shape_cast %get3A_559 : vector<16xi32> to vector<16xi32>
    %get3A_561 = arith.constant 320 : index
    %get3A_562 = tpu.vector_load %arg8[%get3A_561] {strides = array<i32>} : memref<512xi32, #tpu.memory_space<vmem>>, vector<16xi32>,
    %get3A_563 = vector.shape_cast %get3A_562 : vector<16xi32> to vector<16xi32>
    %ge3A_564 = arith.constant 507904 : i32
    %ge3A_565 = vector.broadcast %ge3A_564 : i32 to vector<16xi32>
    %ge3A_566 = arith.cmpi sge, %get3A_560, %ge3A_565 : vector<16xi32>
    %sub3A_567 = arith.constant 507904 : i32
    %sub3A_568 = vector.broadcast %sub3A_567 : i32 to vector<16xi32>
    %sub3A_569 = arith.subi %get3A_560, %sub3A_568 : vector<16xi32>
    %select_n3A_570 = arith.select %ge3A_566, %sub3A_569, %get3A_560 : vector<16xi1>, vector<16xi32>
    %swap3A_571 = arith.constant 320 : index
    %swap3A_572 = tpu.vector_load %arg7[%swap3A_571] {strides = array<i32>} : memref<512xi32, #tpu.memory_space<vmem>>, vector<16xi32>,
    %swap3A_573 = vector.shape_cast %swap3A_572 : vector<16xi32> to vector<16xi32>
    %swap3A_574 = vector.shape_cast %select_n3A_570 : vector<16xi32> to vector<16xi32>
    tpu.vector_store %arg7[%swap3A_571], %swap3A_574 {strides = array<i32>} : memref<512xi32, #tpu.memory_space<vmem>>, vector<16xi32>,
    %ge3A_575 = arith.constant 507904 : i32
    %ge3A_576 = vector.broadcast %ge3A_575 : i32 to vector<16xi32>
    %ge3A_577 = arith.cmpi sge, %get3A_563, %ge3A_576 : vector<16xi32>
    %sub3A_578 = arith.constant 507904 : i32
    %sub3A_579 = vector.broadcast %sub3A_578 : i32 to vector<16xi32>
    %sub3A_580 = arith.subi %get3A_563, %sub3A_579 : vector<16xi32>
    %select_n3A_581 = arith.select %ge3A_577, %sub3A_580, %get3A_563 : vector<16xi1>, vector<16xi32>
    %swap3A_582 = arith.constant 320 : index
    %swap3A_583 = tpu.vector_load %arg8[%swap3A_582] {strides = array<i32>} : memref<512xi32, #tpu.memory_space<vmem>>, vector<16xi32>,
    %swap3A_584 = vector.shape_cast %swap3A_583 : vector<16xi32> to vector<16xi32>
    %swap3A_585 = vector.shape_cast %select_n3A_581 : vector<16xi32> to vector<16xi32>
    tpu.vector_store %arg8[%swap3A_582], %swap3A_585 {strides = array<i32>} : memref<512xi32, #tpu.memory_space<vmem>>, vector<16xi32>,
    %get3A_586 = arith.constant 336 : index
    %get3A_587 = tpu.vector_load %arg7[%get3A_586] {strides = array<i32>} : memref<512xi32, #tpu.memory_space<vmem>>, vector<16xi32>,
    %get3A_588 = vector.shape_cast %get3A_587 : vector<16xi32> to vector<16xi32>
    %get3A_589 = arith.constant 336 : index
    %get3A_590 = tpu.vector_load %arg8[%get3A_589] {strides = array<i32>} : memref<512xi32, #tpu.memory_space<vmem>>, vector<16xi32>,
    %get3A_591 = vector.shape_cast %get3A_590 : vector<16xi32> to vector<16xi32>
    %ge3A_592 = arith.constant 507904 : i32
    %ge3A_593 = vector.broadcast %ge3A_592 : i32 to vector<16xi32>
    %ge3A_594 = arith.cmpi sge, %get3A_588, %ge3A_593 : vector<16xi32>
    %sub3A_595 = arith.constant 507904 : i32
    %sub3A_596 = vector.broadcast %sub3A_595 : i32 to vector<16xi32>
    %sub3A_597 = arith.subi %get3A_588, %sub3A_596 : vector<16xi32>
    %select_n3A_598 = arith.select %ge3A_594, %sub3A_597, %get3A_588 : vector<16xi1>, vector<16xi32>
    %swap3A_599 = arith.constant 336 : index
    %swap3A_600 = tpu.vector_load %arg7[%swap3A_599] {strides = array<i32>} : memref<512xi32, #tpu.memory_space<vmem>>, vector<16xi32>,
    %swap3A_601 = vector.shape_cast %swap3A_600 : vector<16xi32> to vector<16xi32>
    %swap3A_602 = vector.shape_cast %select_n3A_598 : vector<16xi32> to vector<16xi32>
    tpu.vector_store %arg7[%swap3A_599], %swap3A_602 {strides = array<i32>} : memref<512xi32, #tpu.memory_space<vmem>>, vector<16xi32>,
    %ge3A_603 = arith.constant 507904 : i32
    %ge3A_604 = vector.broadcast %ge3A_603 : i32 to vector<16xi32>
    %ge3A_605 = arith.cmpi sge, %get3A_591, %ge3A_604 : vector<16xi32>
    %sub3A_606 = arith.constant 507904 : i32
    %sub3A_607 = vector.broadcast %sub3A_606 : i32 to vector<16xi32>
    %sub3A_608 = arith.subi %get3A_591, %sub3A_607 : vector<16xi32>
    %select_n3A_609 = arith.select %ge3A_605, %sub3A_608, %get3A_591 : vector<16xi1>, vector<16xi32>
    %swap3A_610 = arith.constant 336 : index
    %swap3A_611 = tpu.vector_load %arg8[%swap3A_610] {strides = array<i32>} : memref<512xi32, #tpu.memory_space<vmem>>, vector<16xi32>,
    %swap3A_612 = vector.shape_cast %swap3A_611 : vector<16xi32> to vector<16xi32>
    %swap3A_613 = vector.shape_cast %select_n3A_609 : vector<16xi32> to vector<16xi32>
    tpu.vector_store %arg8[%swap3A_610], %swap3A_613 {strides = array<i32>} : memref<512xi32, #tpu.memory_space<vmem>>, vector<16xi32>,
    %get3A_614 = arith.constant 352 : index
    %get3A_615 = tpu.vector_load %arg7[%get3A_614] {strides = array<i32>} : memref<512xi32, #tpu.memory_space<vmem>>, vector<16xi32>,
    %get3A_616 = vector.shape_cast %get3A_615 : vector<16xi32> to vector<16xi32>
    %get3A_617 = arith.constant 352 : index
    %get3A_618 = tpu.vector_load %arg8[%get3A_617] {strides = array<i32>} : memref<512xi32, #tpu.memory_space<vmem>>, vector<16xi32>,
    %get3A_619 = vector.shape_cast %get3A_618 : vector<16xi32> to vector<16xi32>
    %ge3A_620 = arith.constant 507904 : i32
    %ge3A_621 = vector.broadcast %ge3A_620 : i32 to vector<16xi32>
    %ge3A_622 = arith.cmpi sge, %get3A_616, %ge3A_621 : vector<16xi32>
    %sub3A_623 = arith.constant 507904 : i32
    %sub3A_624 = vector.broadcast %sub3A_623 : i32 to vector<16xi32>
    %sub3A_625 = arith.subi %get3A_616, %sub3A_624 : vector<16xi32>
    %select_n3A_626 = arith.select %ge3A_622, %sub3A_625, %get3A_616 : vector<16xi1>, vector<16xi32>
    %swap3A_627 = arith.constant 352 : index
    %swap3A_628 = tpu.vector_load %arg7[%swap3A_627] {strides = array<i32>} : memref<512xi32, #tpu.memory_space<vmem>>, vector<16xi32>,
    %swap3A_629 = vector.shape_cast %swap3A_628 : vector<16xi32> to vector<16xi32>
    %swap3A_630 = vector.shape_cast %select_n3A_626 : vector<16xi32> to vector<16xi32>
    tpu.vector_store %arg7[%swap3A_627], %swap3A_630 {strides = array<i32>} : memref<512xi32, #tpu.memory_space<vmem>>, vector<16xi32>,
    %ge3A_631 = arith.constant 507904 : i32
    %ge3A_632 = vector.broadcast %ge3A_631 : i32 to vector<16xi32>
    %ge3A_633 = arith.cmpi sge, %get3A_619, %ge3A_632 : vector<16xi32>
    %sub3A_634 = arith.constant 507904 : i32
    %sub3A_635 = vector.broadcast %sub3A_634 : i32 to vector<16xi32>
    %sub3A_636 = arith.subi %get3A_619, %sub3A_635 : vector<16xi32>
    %select_n3A_637 = arith.select %ge3A_633, %sub3A_636, %get3A_619 : vector<16xi1>, vector<16xi32>
    %swap3A_638 = arith.constant 352 : index
    %swap3A_639 = tpu.vector_load %arg8[%swap3A_638] {strides = array<i32>} : memref<512xi32, #tpu.memory_space<vmem>>, vector<16xi32>,
    %swap3A_640 = vector.shape_cast %swap3A_639 : vector<16xi32> to vector<16xi32>
    %swap3A_641 = vector.shape_cast %select_n3A_637 : vector<16xi32> to vector<16xi32>
    tpu.vector_store %arg8[%swap3A_638], %swap3A_641 {strides = array<i32>} : memref<512xi32, #tpu.memory_space<vmem>>, vector<16xi32>,
    %get3A_642 = arith.constant 368 : index
    %get3A_643 = tpu.vector_load %arg7[%get3A_642] {strides = array<i32>} : memref<512xi32, #tpu.memory_space<vmem>>, vector<16xi32>,
    %get3A_644 = vector.shape_cast %get3A_643 : vector<16xi32> to vector<16xi32>
    %get3A_645 = arith.constant 368 : index
    %get3A_646 = tpu.vector_load %arg8[%get3A_645] {strides = array<i32>} : memref<512xi32, #tpu.memory_space<vmem>>, vector<16xi32>,
    %get3A_647 = vector.shape_cast %get3A_646 : vector<16xi32> to vector<16xi32>
    %ge3A_648 = arith.constant 507904 : i32
    %ge3A_649 = vector.broadcast %ge3A_648 : i32 to vector<16xi32>
    %ge3A_650 = arith.cmpi sge, %get3A_644, %ge3A_649 : vector<16xi32>
    %sub3A_651 = arith.constant 507904 : i32
    %sub3A_652 = vector.broadcast %sub3A_651 : i32 to vector<16xi32>
    %sub3A_653 = arith.subi %get3A_644, %sub3A_652 : vector<16xi32>
    %select_n3A_654 = arith.select %ge3A_650, %sub3A_653, %get3A_644 : vector<16xi1>, vector<16xi32>
    %swap3A_655 = arith.constant 368 : index
    %swap3A_656 = tpu.vector_load %arg7[%swap3A_655] {strides = array<i32>} : memref<512xi32, #tpu.memory_space<vmem>>, vector<16xi32>,
    %swap3A_657 = vector.shape_cast %swap3A_656 : vector<16xi32> to vector<16xi32>
    %swap3A_658 = vector.shape_cast %select_n3A_654 : vector<16xi32> to vector<16xi32>
    tpu.vector_store %arg7[%swap3A_655], %swap3A_658 {strides = array<i32>} : memref<512xi32, #tpu.memory_space<vmem>>, vector<16xi32>,
    %ge3A_659 = arith.constant 507904 : i32
    %ge3A_660 = vector.broadcast %ge3A_659 : i32 to vector<16xi32>
    %ge3A_661 = arith.cmpi sge, %get3A_647, %ge3A_660 : vector<16xi32>
    %sub3A_662 = arith.constant 507904 : i32
    %sub3A_663 = vector.broadcast %sub3A_662 : i32 to vector<16xi32>
    %sub3A_664 = arith.subi %get3A_647, %sub3A_663 : vector<16xi32>
    %select_n3A_665 = arith.select %ge3A_661, %sub3A_664, %get3A_647 : vector<16xi1>, vector<16xi32>
    %swap3A_666 = arith.constant 368 : index
    %swap3A_667 = tpu.vector_load %arg8[%swap3A_666] {strides = array<i32>} : memref<512xi32, #tpu.memory_space<vmem>>, vector<16xi32>,
    %swap3A_668 = vector.shape_cast %swap3A_667 : vector<16xi32> to vector<16xi32>
    %swap3A_669 = vector.shape_cast %select_n3A_665 : vector<16xi32> to vector<16xi32>
    tpu.vector_store %arg8[%swap3A_666], %swap3A_669 {strides = array<i32>} : memref<512xi32, #tpu.memory_space<vmem>>, vector<16xi32>,
    %get3A_670 = arith.constant 384 : index
    %get3A_671 = tpu.vector_load %arg7[%get3A_670] {strides = array<i32>} : memref<512xi32, #tpu.memory_space<vmem>>, vector<16xi32>,
    %get3A_672 = vector.shape_cast %get3A_671 : vector<16xi32> to vector<16xi32>
    %get3A_673 = arith.constant 384 : index
    %get3A_674 = tpu.vector_load %arg8[%get3A_673] {strides = array<i32>} : memref<512xi32, #tpu.memory_space<vmem>>, vector<16xi32>,
    %get3A_675 = vector.shape_cast %get3A_674 : vector<16xi32> to vector<16xi32>
    %ge3A_676 = arith.constant 507904 : i32
    %ge3A_677 = vector.broadcast %ge3A_676 : i32 to vector<16xi32>
    %ge3A_678 = arith.cmpi sge, %get3A_672, %ge3A_677 : vector<16xi32>
    %sub3A_679 = arith.constant 507904 : i32
    %sub3A_680 = vector.broadcast %sub3A_679 : i32 to vector<16xi32>
    %sub3A_681 = arith.subi %get3A_672, %sub3A_680 : vector<16xi32>
    %select_n3A_682 = arith.select %ge3A_678, %sub3A_681, %get3A_672 : vector<16xi1>, vector<16xi32>
    %swap3A_683 = arith.constant 384 : index
    %swap3A_684 = tpu.vector_load %arg7[%swap3A_683] {strides = array<i32>} : memref<512xi32, #tpu.memory_space<vmem>>, vector<16xi32>,
    %swap3A_685 = vector.shape_cast %swap3A_684 : vector<16xi32> to vector<16xi32>
    %swap3A_686 = vector.shape_cast %select_n3A_682 : vector<16xi32> to vector<16xi32>
    tpu.vector_store %arg7[%swap3A_683], %swap3A_686 {strides = array<i32>} : memref<512xi32, #tpu.memory_space<vmem>>, vector<16xi32>,
    %ge3A_687 = arith.constant 507904 : i32
    %ge3A_688 = vector.broadcast %ge3A_687 : i32 to vector<16xi32>
    %ge3A_689 = arith.cmpi sge, %get3A_675, %ge3A_688 : vector<16xi32>
    %sub3A_690 = arith.constant 507904 : i32
    %sub3A_691 = vector.broadcast %sub3A_690 : i32 to vector<16xi32>
    %sub3A_692 = arith.subi %get3A_675, %sub3A_691 : vector<16xi32>
    %select_n3A_693 = arith.select %ge3A_689, %sub3A_692, %get3A_675 : vector<16xi1>, vector<16xi32>
    %swap3A_694 = arith.constant 384 : index
    %swap3A_695 = tpu.vector_load %arg8[%swap3A_694] {strides = array<i32>} : memref<512xi32, #tpu.memory_space<vmem>>, vector<16xi32>,
    %swap3A_696 = vector.shape_cast %swap3A_695 : vector<16xi32> to vector<16xi32>
    %swap3A_697 = vector.shape_cast %select_n3A_693 : vector<16xi32> to vector<16xi32>
    tpu.vector_store %arg8[%swap3A_694], %swap3A_697 {strides = array<i32>} : memref<512xi32, #tpu.memory_space<vmem>>, vector<16xi32>,
    %get3A_698 = arith.constant 400 : index
    %get3A_699 = tpu.vector_load %arg7[%get3A_698] {strides = array<i32>} : memref<512xi32, #tpu.memory_space<vmem>>, vector<16xi32>,
    %get3A_700 = vector.shape_cast %get3A_699 : vector<16xi32> to vector<16xi32>
    %get3A_701 = arith.constant 400 : index
    %get3A_702 = tpu.vector_load %arg8[%get3A_701] {strides = array<i32>} : memref<512xi32, #tpu.memory_space<vmem>>, vector<16xi32>,
    %get3A_703 = vector.shape_cast %get3A_702 : vector<16xi32> to vector<16xi32>
    %ge3A_704 = arith.constant 507904 : i32
    %ge3A_705 = vector.broadcast %ge3A_704 : i32 to vector<16xi32>
    %ge3A_706 = arith.cmpi sge, %get3A_700, %ge3A_705 : vector<16xi32>
    %sub3A_707 = arith.constant 507904 : i32
    %sub3A_708 = vector.broadcast %sub3A_707 : i32 to vector<16xi32>
    %sub3A_709 = arith.subi %get3A_700, %sub3A_708 : vector<16xi32>
    %select_n3A_710 = arith.select %ge3A_706, %sub3A_709, %get3A_700 : vector<16xi1>, vector<16xi32>
    %swap3A_711 = arith.constant 400 : index
    %swap3A_712 = tpu.vector_load %arg7[%swap3A_711] {strides = array<i32>} : memref<512xi32, #tpu.memory_space<vmem>>, vector<16xi32>,
    %swap3A_713 = vector.shape_cast %swap3A_712 : vector<16xi32> to vector<16xi32>
    %swap3A_714 = vector.shape_cast %select_n3A_710 : vector<16xi32> to vector<16xi32>
    tpu.vector_store %arg7[%swap3A_711], %swap3A_714 {strides = array<i32>} : memref<512xi32, #tpu.memory_space<vmem>>, vector<16xi32>,
    %ge3A_715 = arith.constant 507904 : i32
    %ge3A_716 = vector.broadcast %ge3A_715 : i32 to vector<16xi32>
    %ge3A_717 = arith.cmpi sge, %get3A_703, %ge3A_716 : vector<16xi32>
    %sub3A_718 = arith.constant 507904 : i32
    %sub3A_719 = vector.broadcast %sub3A_718 : i32 to vector<16xi32>
    %sub3A_720 = arith.subi %get3A_703, %sub3A_719 : vector<16xi32>
    %select_n3A_721 = arith.select %ge3A_717, %sub3A_720, %get3A_703 : vector<16xi1>, vector<16xi32>
    %swap3A_722 = arith.constant 400 : index
    %swap3A_723 = tpu.vector_load %arg8[%swap3A_722] {strides = array<i32>} : memref<512xi32, #tpu.memory_space<vmem>>, vector<16xi32>,
    %swap3A_724 = vector.shape_cast %swap3A_723 : vector<16xi32> to vector<16xi32>
    %swap3A_725 = vector.shape_cast %select_n3A_721 : vector<16xi32> to vector<16xi32>
    tpu.vector_store %arg8[%swap3A_722], %swap3A_725 {strides = array<i32>} : memref<512xi32, #tpu.memory_space<vmem>>, vector<16xi32>,
    %get3A_726 = arith.constant 416 : index
    %get3A_727 = tpu.vector_load %arg7[%get3A_726] {strides = array<i32>} : memref<512xi32, #tpu.memory_space<vmem>>, vector<16xi32>,
    %get3A_728 = vector.shape_cast %get3A_727 : vector<16xi32> to vector<16xi32>
    %get3A_729 = arith.constant 416 : index
    %get3A_730 = tpu.vector_load %arg8[%get3A_729] {strides = array<i32>} : memref<512xi32, #tpu.memory_space<vmem>>, vector<16xi32>,
    %get3A_731 = vector.shape_cast %get3A_730 : vector<16xi32> to vector<16xi32>
    %ge3A_732 = arith.constant 507904 : i32
    %ge3A_733 = vector.broadcast %ge3A_732 : i32 to vector<16xi32>
    %ge3A_734 = arith.cmpi sge, %get3A_728, %ge3A_733 : vector<16xi32>
    %sub3A_735 = arith.constant 507904 : i32
    %sub3A_736 = vector.broadcast %sub3A_735 : i32 to vector<16xi32>
    %sub3A_737 = arith.subi %get3A_728, %sub3A_736 : vector<16xi32>
    %select_n3A_738 = arith.select %ge3A_734, %sub3A_737, %get3A_728 : vector<16xi1>, vector<16xi32>
    %swap3A_739 = arith.constant 416 : index
    %swap3A_740 = tpu.vector_load %arg7[%swap3A_739] {strides = array<i32>} : memref<512xi32, #tpu.memory_space<vmem>>, vector<16xi32>,
    %swap3A_741 = vector.shape_cast %swap3A_740 : vector<16xi32> to vector<16xi32>
    %swap3A_742 = vector.shape_cast %select_n3A_738 : vector<16xi32> to vector<16xi32>
    tpu.vector_store %arg7[%swap3A_739], %swap3A_742 {strides = array<i32>} : memref<512xi32, #tpu.memory_space<vmem>>, vector<16xi32>,
    %ge3A_743 = arith.constant 507904 : i32
    %ge3A_744 = vector.broadcast %ge3A_743 : i32 to vector<16xi32>
    %ge3A_745 = arith.cmpi sge, %get3A_731, %ge3A_744 : vector<16xi32>
    %sub3A_746 = arith.constant 507904 : i32
    %sub3A_747 = vector.broadcast %sub3A_746 : i32 to vector<16xi32>
    %sub3A_748 = arith.subi %get3A_731, %sub3A_747 : vector<16xi32>
    %select_n3A_749 = arith.select %ge3A_745, %sub3A_748, %get3A_731 : vector<16xi1>, vector<16xi32>
    %swap3A_750 = arith.constant 416 : index
    %swap3A_751 = tpu.vector_load %arg8[%swap3A_750] {strides = array<i32>} : memref<512xi32, #tpu.memory_space<vmem>>, vector<16xi32>,
    %swap3A_752 = vector.shape_cast %swap3A_751 : vector<16xi32> to vector<16xi32>
    %swap3A_753 = vector.shape_cast %select_n3A_749 : vector<16xi32> to vector<16xi32>
    tpu.vector_store %arg8[%swap3A_750], %swap3A_753 {strides = array<i32>} : memref<512xi32, #tpu.memory_space<vmem>>, vector<16xi32>,
    %get3A_754 = arith.constant 432 : index
    %get3A_755 = tpu.vector_load %arg7[%get3A_754] {strides = array<i32>} : memref<512xi32, #tpu.memory_space<vmem>>, vector<16xi32>,
    %get3A_756 = vector.shape_cast %get3A_755 : vector<16xi32> to vector<16xi32>
    %get3A_757 = arith.constant 432 : index
    %get3A_758 = tpu.vector_load %arg8[%get3A_757] {strides = array<i32>} : memref<512xi32, #tpu.memory_space<vmem>>, vector<16xi32>,
    %get3A_759 = vector.shape_cast %get3A_758 : vector<16xi32> to vector<16xi32>
    %ge3A_760 = arith.constant 507904 : i32
    %ge3A_761 = vector.broadcast %ge3A_760 : i32 to vector<16xi32>
    %ge3A_762 = arith.cmpi sge, %get3A_756, %ge3A_761 : vector<16xi32>
    %sub3A_763 = arith.constant 507904 : i32
    %sub3A_764 = vector.broadcast %sub3A_763 : i32 to vector<16xi32>
    %sub3A_765 = arith.subi %get3A_756, %sub3A_764 : vector<16xi32>
    %select_n3A_766 = arith.select %ge3A_762, %sub3A_765, %get3A_756 : vector<16xi1>, vector<16xi32>
    %swap3A_767 = arith.constant 432 : index
    %swap3A_768 = tpu.vector_load %arg7[%swap3A_767] {strides = array<i32>} : memref<512xi32, #tpu.memory_space<vmem>>, vector<16xi32>,
    %swap3A_769 = vector.shape_cast %swap3A_768 : vector<16xi32> to vector<16xi32>
    %swap3A_770 = vector.shape_cast %select_n3A_766 : vector<16xi32> to vector<16xi32>
    tpu.vector_store %arg7[%swap3A_767], %swap3A_770 {strides = array<i32>} : memref<512xi32, #tpu.memory_space<vmem>>, vector<16xi32>,
    %ge3A_771 = arith.constant 507904 : i32
    %ge3A_772 = vector.broadcast %ge3A_771 : i32 to vector<16xi32>
    %ge3A_773 = arith.cmpi sge, %get3A_759, %ge3A_772 : vector<16xi32>
    %sub3A_774 = arith.constant 507904 : i32
    %sub3A_775 = vector.broadcast %sub3A_774 : i32 to vector<16xi32>
    %sub3A_776 = arith.subi %get3A_759, %sub3A_775 : vector<16xi32>
    %select_n3A_777 = arith.select %ge3A_773, %sub3A_776, %get3A_759 : vector<16xi1>, vector<16xi32>
    %swap3A_778 = arith.constant 432 : index
    %swap3A_779 = tpu.vector_load %arg8[%swap3A_778] {strides = array<i32>} : memref<512xi32, #tpu.memory_space<vmem>>, vector<16xi32>,
    %swap3A_780 = vector.shape_cast %swap3A_779 : vector<16xi32> to vector<16xi32>
    %swap3A_781 = vector.shape_cast %select_n3A_777 : vector<16xi32> to vector<16xi32>
    tpu.vector_store %arg8[%swap3A_778], %swap3A_781 {strides = array<i32>} : memref<512xi32, #tpu.memory_space<vmem>>, vector<16xi32>,
    %get3A_782 = arith.constant 448 : index
    %get3A_783 = tpu.vector_load %arg7[%get3A_782] {strides = array<i32>} : memref<512xi32, #tpu.memory_space<vmem>>, vector<16xi32>,
    %get3A_784 = vector.shape_cast %get3A_783 : vector<16xi32> to vector<16xi32>
    %get3A_785 = arith.constant 448 : index
    %get3A_786 = tpu.vector_load %arg8[%get3A_785] {strides = array<i32>} : memref<512xi32, #tpu.memory_space<vmem>>, vector<16xi32>,
    %get3A_787 = vector.shape_cast %get3A_786 : vector<16xi32> to vector<16xi32>
    %ge3A_788 = arith.constant 507904 : i32
    %ge3A_789 = vector.broadcast %ge3A_788 : i32 to vector<16xi32>
    %ge3A_790 = arith.cmpi sge, %get3A_784, %ge3A_789 : vector<16xi32>
    %sub3A_791 = arith.constant 507904 : i32
    %sub3A_792 = vector.broadcast %sub3A_791 : i32 to vector<16xi32>
    %sub3A_793 = arith.subi %get3A_784, %sub3A_792 : vector<16xi32>
    %select_n3A_794 = arith.select %ge3A_790, %sub3A_793, %get3A_784 : vector<16xi1>, vector<16xi32>
    %swap3A_795 = arith.constant 448 : index
    %swap3A_796 = tpu.vector_load %arg7[%swap3A_795] {strides = array<i32>} : memref<512xi32, #tpu.memory_space<vmem>>, vector<16xi32>,
    %swap3A_797 = vector.shape_cast %swap3A_796 : vector<16xi32> to vector<16xi32>
    %swap3A_798 = vector.shape_cast %select_n3A_794 : vector<16xi32> to vector<16xi32>
    tpu.vector_store %arg7[%swap3A_795], %swap3A_798 {strides = array<i32>} : memref<512xi32, #tpu.memory_space<vmem>>, vector<16xi32>,
    %ge3A_799 = arith.constant 507904 : i32
    %ge3A_800 = vector.broadcast %ge3A_799 : i32 to vector<16xi32>
    %ge3A_801 = arith.cmpi sge, %get3A_787, %ge3A_800 : vector<16xi32>
    %sub3A_802 = arith.constant 507904 : i32
    %sub3A_803 = vector.broadcast %sub3A_802 : i32 to vector<16xi32>
    %sub3A_804 = arith.subi %get3A_787, %sub3A_803 : vector<16xi32>
    %select_n3A_805 = arith.select %ge3A_801, %sub3A_804, %get3A_787 : vector<16xi1>, vector<16xi32>
    %swap3A_806 = arith.constant 448 : index
    %swap3A_807 = tpu.vector_load %arg8[%swap3A_806] {strides = array<i32>} : memref<512xi32, #tpu.memory_space<vmem>>, vector<16xi32>,
    %swap3A_808 = vector.shape_cast %swap3A_807 : vector<16xi32> to vector<16xi32>
    %swap3A_809 = vector.shape_cast %select_n3A_805 : vector<16xi32> to vector<16xi32>
    tpu.vector_store %arg8[%swap3A_806], %swap3A_809 {strides = array<i32>} : memref<512xi32, #tpu.memory_space<vmem>>, vector<16xi32>,
    %get3A_810 = arith.constant 464 : index
    %get3A_811 = tpu.vector_load %arg7[%get3A_810] {strides = array<i32>} : memref<512xi32, #tpu.memory_space<vmem>>, vector<16xi32>,
    %get3A_812 = vector.shape_cast %get3A_811 : vector<16xi32> to vector<16xi32>
    %get3A_813 = arith.constant 464 : index
    %get3A_814 = tpu.vector_load %arg8[%get3A_813] {strides = array<i32>} : memref<512xi32, #tpu.memory_space<vmem>>, vector<16xi32>,
    %get3A_815 = vector.shape_cast %get3A_814 : vector<16xi32> to vector<16xi32>
    %ge3A_816 = arith.constant 507904 : i32
    %ge3A_817 = vector.broadcast %ge3A_816 : i32 to vector<16xi32>
    %ge3A_818 = arith.cmpi sge, %get3A_812, %ge3A_817 : vector<16xi32>
    %sub3A_819 = arith.constant 507904 : i32
    %sub3A_820 = vector.broadcast %sub3A_819 : i32 to vector<16xi32>
    %sub3A_821 = arith.subi %get3A_812, %sub3A_820 : vector<16xi32>
    %select_n3A_822 = arith.select %ge3A_818, %sub3A_821, %get3A_812 : vector<16xi1>, vector<16xi32>
    %swap3A_823 = arith.constant 464 : index
    %swap3A_824 = tpu.vector_load %arg7[%swap3A_823] {strides = array<i32>} : memref<512xi32, #tpu.memory_space<vmem>>, vector<16xi32>,
    %swap3A_825 = vector.shape_cast %swap3A_824 : vector<16xi32> to vector<16xi32>
    %swap3A_826 = vector.shape_cast %select_n3A_822 : vector<16xi32> to vector<16xi32>
    tpu.vector_store %arg7[%swap3A_823], %swap3A_826 {strides = array<i32>} : memref<512xi32, #tpu.memory_space<vmem>>, vector<16xi32>,
    %ge3A_827 = arith.constant 507904 : i32
    %ge3A_828 = vector.broadcast %ge3A_827 : i32 to vector<16xi32>
    %ge3A_829 = arith.cmpi sge, %get3A_815, %ge3A_828 : vector<16xi32>
    %sub3A_830 = arith.constant 507904 : i32
    %sub3A_831 = vector.broadcast %sub3A_830 : i32 to vector<16xi32>
    %sub3A_832 = arith.subi %get3A_815, %sub3A_831 : vector<16xi32>
    %select_n3A_833 = arith.select %ge3A_829, %sub3A_832, %get3A_815 : vector<16xi1>, vector<16xi32>
    %swap3A_834 = arith.constant 464 : index
    %swap3A_835 = tpu.vector_load %arg8[%swap3A_834] {strides = array<i32>} : memref<512xi32, #tpu.memory_space<vmem>>, vector<16xi32>,
    %swap3A_836 = vector.shape_cast %swap3A_835 : vector<16xi32> to vector<16xi32>
    %swap3A_837 = vector.shape_cast %select_n3A_833 : vector<16xi32> to vector<16xi32>
    tpu.vector_store %arg8[%swap3A_834], %swap3A_837 {strides = array<i32>} : memref<512xi32, #tpu.memory_space<vmem>>, vector<16xi32>,
    %get3A_838 = arith.constant 480 : index
    %get3A_839 = tpu.vector_load %arg7[%get3A_838] {strides = array<i32>} : memref<512xi32, #tpu.memory_space<vmem>>, vector<16xi32>,
    %get3A_840 = vector.shape_cast %get3A_839 : vector<16xi32> to vector<16xi32>
    %get3A_841 = arith.constant 480 : index
    %get3A_842 = tpu.vector_load %arg8[%get3A_841] {strides = array<i32>} : memref<512xi32, #tpu.memory_space<vmem>>, vector<16xi32>,
    %get3A_843 = vector.shape_cast %get3A_842 : vector<16xi32> to vector<16xi32>
    %ge3A_844 = arith.constant 507904 : i32
    %ge3A_845 = vector.broadcast %ge3A_844 : i32 to vector<16xi32>
    %ge3A_846 = arith.cmpi sge, %get3A_840, %ge3A_845 : vector<16xi32>
    %sub3A_847 = arith.constant 507904 : i32
    %sub3A_848 = vector.broadcast %sub3A_847 : i32 to vector<16xi32>
    %sub3A_849 = arith.subi %get3A_840, %sub3A_848 : vector<16xi32>
    %select_n3A_850 = arith.select %ge3A_846, %sub3A_849, %get3A_840 : vector<16xi1>, vector<16xi32>
    %swap3A_851 = arith.constant 480 : index
    %swap3A_852 = tpu.vector_load %arg7[%swap3A_851] {strides = array<i32>} : memref<512xi32, #tpu.memory_space<vmem>>, vector<16xi32>,
    %swap3A_853 = vector.shape_cast %swap3A_852 : vector<16xi32> to vector<16xi32>
    %swap3A_854 = vector.shape_cast %select_n3A_850 : vector<16xi32> to vector<16xi32>
    tpu.vector_store %arg7[%swap3A_851], %swap3A_854 {strides = array<i32>} : memref<512xi32, #tpu.memory_space<vmem>>, vector<16xi32>,
    %ge3A_855 = arith.constant 507904 : i32
    %ge3A_856 = vector.broadcast %ge3A_855 : i32 to vector<16xi32>
    %ge3A_857 = arith.cmpi sge, %get3A_843, %ge3A_856 : vector<16xi32>
    %sub3A_858 = arith.constant 507904 : i32
    %sub3A_859 = vector.broadcast %sub3A_858 : i32 to vector<16xi32>
    %sub3A_860 = arith.subi %get3A_843, %sub3A_859 : vector<16xi32>
    %select_n3A_861 = arith.select %ge3A_857, %sub3A_860, %get3A_843 : vector<16xi1>, vector<16xi32>
    %swap3A_862 = arith.constant 480 : index
    %swap3A_863 = tpu.vector_load %arg8[%swap3A_862] {strides = array<i32>} : memref<512xi32, #tpu.memory_space<vmem>>, vector<16xi32>,
    %swap3A_864 = vector.shape_cast %swap3A_863 : vector<16xi32> to vector<16xi32>
    %swap3A_865 = vector.shape_cast %select_n3A_861 : vector<16xi32> to vector<16xi32>
    tpu.vector_store %arg8[%swap3A_862], %swap3A_865 {strides = array<i32>} : memref<512xi32, #tpu.memory_space<vmem>>, vector<16xi32>,
    %get3A_866 = arith.constant 496 : index
    %get3A_867 = tpu.vector_load %arg7[%get3A_866] {strides = array<i32>} : memref<512xi32, #tpu.memory_space<vmem>>, vector<16xi32>,
    %get3A_868 = vector.shape_cast %get3A_867 : vector<16xi32> to vector<16xi32>
    %get3A_869 = arith.constant 496 : index
    %get3A_870 = tpu.vector_load %arg8[%get3A_869] {strides = array<i32>} : memref<512xi32, #tpu.memory_space<vmem>>, vector<16xi32>,
    %get3A_871 = vector.shape_cast %get3A_870 : vector<16xi32> to vector<16xi32>
    %ge3A_872 = arith.constant 507904 : i32
    %ge3A_873 = vector.broadcast %ge3A_872 : i32 to vector<16xi32>
    %ge3A_874 = arith.cmpi sge, %get3A_868, %ge3A_873 : vector<16xi32>
    %sub3A_875 = arith.constant 507904 : i32
    %sub3A_876 = vector.broadcast %sub3A_875 : i32 to vector<16xi32>
    %sub3A_877 = arith.subi %get3A_868, %sub3A_876 : vector<16xi32>
    %select_n3A_878 = arith.select %ge3A_874, %sub3A_877, %get3A_868 : vector<16xi1>, vector<16xi32>
    %swap3A_879 = arith.constant 496 : index
    %swap3A_880 = tpu.vector_load %arg7[%swap3A_879] {strides = array<i32>} : memref<512xi32, #tpu.memory_space<vmem>>, vector<16xi32>,
    %swap3A_881 = vector.shape_cast %swap3A_880 : vector<16xi32> to vector<16xi32>
    %swap3A_882 = vector.shape_cast %select_n3A_878 : vector<16xi32> to vector<16xi32>
    tpu.vector_store %arg7[%swap3A_879], %swap3A_882 {strides = array<i32>} : memref<512xi32, #tpu.memory_space<vmem>>, vector<16xi32>,
    %ge3A_883 = arith.constant 507904 : i32
    %ge3A_884 = vector.broadcast %ge3A_883 : i32 to vector<16xi32>
    %ge3A_885 = arith.cmpi sge, %get3A_871, %ge3A_884 : vector<16xi32>
    %sub3A_886 = arith.constant 507904 : i32
    %sub3A_887 = vector.broadcast %sub3A_886 : i32 to vector<16xi32>
    %sub3A_888 = arith.subi %get3A_871, %sub3A_887 : vector<16xi32>
    %select_n3A_889 = arith.select %ge3A_885, %sub3A_888, %get3A_871 : vector<16xi1>, vector<16xi32>
    %swap3A_890 = arith.constant 496 : index
    %swap3A_891 = tpu.vector_load %arg8[%swap3A_890] {strides = array<i32>} : memref<512xi32, #tpu.memory_space<vmem>>, vector<16xi32>,
    %swap3A_892 = vector.shape_cast %swap3A_891 : vector<16xi32> to vector<16xi32>
    %swap3A_893 = vector.shape_cast %select_n3A_889 : vector<16xi32> to vector<16xi32>
    tpu.vector_store %arg8[%swap3A_890], %swap3A_893 {strides = array<i32>} : memref<512xi32, #tpu.memory_space<vmem>>, vector<16xi32>,
    %dma_start3A = arith.constant 0 : i32
    %dma_start3A_894 = arith.constant 0 : i32
    %dma_start3A_895 = arith.constant 0 : i32
    %dma_start3A_896 = tpu.memref_slice %arg9[%dma_start3A, %dma_start3A_894, %dma_start3A_895] : memref<2x128x128xf32, #tpu.memory_space<vmem>> -> memref<1x128x128xf32, #tpu.memory_space<vmem>>
    %dma_start3A_897 = tpu.memref_squeeze %dma_start3A_896 : memref<1x128x128xf32, #tpu.memory_space<vmem>> -> memref<128x128xf32, #tpu.memory_space<vmem>>
    %dma_start3A_898 = arith.constant 0 : i32
    %dma_start3A_899 = tpu.memref_slice %arg7[%dma_start3A_898] : memref<512xi32, #tpu.memory_space<vmem>> -> memref<128xi32, #tpu.memory_space<vmem>>
    %dma_start3A_900 = arith.constant 0 : i32
    %dma_start3A_901 = arith.constant 0 : i32
    %dma_start3A_902 = tpu.memref_slice %arg4[%dma_start3A_900, %dma_start3A_901] : memref<507904x128xf32, #tpu.memory_space<hbm>> -> memref<507904x128xf32, #tpu.memory_space<hbm>>
    tpu.enqueue_indirect_dma source(%dma_start3A_902 : memref<507904x128xf32, #tpu.memory_space<hbm>>) target(%dma_start3A_897 : memref<128x128xf32, #tpu.memory_space<vmem>>) offsets(%dma_start3A_899 : memref<128xi32, #tpu.memory_space<vmem>>) semaphore(%arg11 : memref<!tpu.dma_semaphore, #tpu.memory_space<semaphore_mem>>)
    %dma_start3A_903 = arith.constant 0 : i32
    %dma_start3A_904 = arith.constant 0 : i32
    %dma_start3A_905 = arith.constant 0 : i32
    %dma_start3A_906 = tpu.memref_slice %arg10[%dma_start3A_903, %dma_start3A_904, %dma_start3A_905] : memref<2x128x128xf32, #tpu.memory_space<vmem>> -> memref<1x128x128xf32, #tpu.memory_space<vmem>>
    %dma_start3A_907 = tpu.memref_squeeze %dma_start3A_906 : memref<1x128x128xf32, #tpu.memory_space<vmem>> -> memref<128x128xf32, #tpu.memory_space<vmem>>
    %dma_start3A_908 = arith.constant 0 : i32
    %dma_start3A_909 = tpu.memref_slice %arg8[%dma_start3A_908] : memref<512xi32, #tpu.memory_space<vmem>> -> memref<128xi32, #tpu.memory_space<vmem>>
    %dma_start3A_910 = arith.constant 0 : i32
    %dma_start3A_911 = arith.constant 0 : i32
    %dma_start3A_912 = tpu.memref_slice %arg4[%dma_start3A_910, %dma_start3A_911] : memref<507904x128xf32, #tpu.memory_space<hbm>> -> memref<507904x128xf32, #tpu.memory_space<hbm>>
    tpu.enqueue_indirect_dma source(%dma_start3A_912 : memref<507904x128xf32, #tpu.memory_space<hbm>>) target(%dma_start3A_907 : memref<128x128xf32, #tpu.memory_space<vmem>>) offsets(%dma_start3A_909 : memref<128xi32, #tpu.memory_space<vmem>>) semaphore(%arg11 : memref<!tpu.dma_semaphore, #tpu.memory_space<semaphore_mem>>)
    %dma_start3A_913 = arith.constant 1 : i32
    %dma_start3A_914 = arith.constant 0 : i32
    %dma_start3A_915 = arith.constant 0 : i32
    %dma_start3A_916 = tpu.memref_slice %arg9[%dma_start3A_913, %dma_start3A_914, %dma_start3A_915] : memref<2x128x128xf32, #tpu.memory_space<vmem>> -> memref<1x128x128xf32, #tpu.memory_space<vmem>>
    %dma_start3A_917 = tpu.memref_squeeze %dma_start3A_916 : memref<1x128x128xf32, #tpu.memory_space<vmem>> -> memref<128x128xf32, #tpu.memory_space<vmem>>
    %dma_start3A_918 = arith.constant 128 : i32
    %dma_start3A_919 = tpu.memref_slice %arg7[%dma_start3A_918] : memref<512xi32, #tpu.memory_space<vmem>> -> memref<128xi32, #tpu.memory_space<vmem>>
    %dma_start3A_920 = arith.constant 0 : i32
    %dma_start3A_921 = arith.constant 0 : i32
    %dma_start3A_922 = tpu.memref_slice %arg4[%dma_start3A_920, %dma_start3A_921] : memref<507904x128xf32, #tpu.memory_space<hbm>> -> memref<507904x128xf32, #tpu.memory_space<hbm>>
    tpu.enqueue_indirect_dma source(%dma_start3A_922 : memref<507904x128xf32, #tpu.memory_space<hbm>>) target(%dma_start3A_917 : memref<128x128xf32, #tpu.memory_space<vmem>>) offsets(%dma_start3A_919 : memref<128xi32, #tpu.memory_space<vmem>>) semaphore(%arg11 : memref<!tpu.dma_semaphore, #tpu.memory_space<semaphore_mem>>)
    %dma_start3A_923 = arith.constant 1 : i32
    %dma_start3A_924 = arith.constant 0 : i32
    %dma_start3A_925 = arith.constant 0 : i32
    %dma_start3A_926 = tpu.memref_slice %arg10[%dma_start3A_923, %dma_start3A_924, %dma_start3A_925] : memref<2x128x128xf32, #tpu.memory_space<vmem>> -> memref<1x128x128xf32, #tpu.memory_space<vmem>>
    %dma_start3A_927 = tpu.memref_squeeze %dma_start3A_926 : memref<1x128x128xf32, #tpu.memory_space<vmem>> -> memref<128x128xf32, #tpu.memory_space<vmem>>
    %dma_start3A_928 = arith.constant 128 : i32
    %dma_start3A_929 = tpu.memref_slice %arg8[%dma_start3A_928] : memref<512xi32, #tpu.memory_space<vmem>> -> memref<128xi32, #tpu.memory_space<vmem>>
    %dma_start3A_930 = arith.constant 0 : i32
    %dma_start3A_931 = arith.constant 0 : i32
    %dma_start3A_932 = tpu.memref_slice %arg4[%dma_start3A_930, %dma_start3A_931] : memref<507904x128xf32, #tpu.memory_space<hbm>> -> memref<507904x128xf32, #tpu.memory_space<hbm>>
    tpu.enqueue_indirect_dma source(%dma_start3A_932 : memref<507904x128xf32, #tpu.memory_space<hbm>>) target(%dma_start3A_927 : memref<128x128xf32, #tpu.memory_space<vmem>>) offsets(%dma_start3A_929 : memref<128xi32, #tpu.memory_space<vmem>>) semaphore(%arg11 : memref<!tpu.dma_semaphore, #tpu.memory_space<semaphore_mem>>)
    %dma_wait3A = arith.constant 0 : i32
    %dma_wait3A_933 = arith.constant 0 : i32
    %dma_wait3A_934 = arith.constant 0 : i32
    %dma_wait3A_935 = tpu.memref_slice %arg9[%dma_wait3A, %dma_wait3A_933, %dma_wait3A_934] : memref<2x128x128xf32, #tpu.memory_space<vmem>> -> memref<1x128x128xf32, #tpu.memory_space<vmem>>
    %dma_wait3A_936 = tpu.memref_squeeze %dma_wait3A_935 : memref<1x128x128xf32, #tpu.memory_space<vmem>> -> memref<128x128xf32, #tpu.memory_space<vmem>>
    %dma_wait3A_937 = arith.constant 0 : i32
    %dma_wait3A_938 = tpu.memref_slice %arg7[%dma_wait3A_937] : memref<512xi32, #tpu.memory_space<vmem>> -> memref<128xi32, #tpu.memory_space<vmem>>
    %dma_wait3A_939 = arith.constant 0 : i32
    %dma_wait3A_940 = arith.constant 0 : i32
    %dma_wait3A_941 = tpu.memref_slice %arg4[%dma_wait3A_939, %dma_wait3A_940] : memref<507904x128xf32, #tpu.memory_space<hbm>> -> memref<507904x128xf32, #tpu.memory_space<hbm>>
    tpu.wait_indirect_dma semaphore(%arg11 : memref<!tpu.dma_semaphore, #tpu.memory_space<semaphore_mem>>) src(%dma_wait3A_941 : memref<507904x128xf32, #tpu.memory_space<hbm>>) dst(%dma_wait3A_936 : memref<128x128xf32, #tpu.memory_space<vmem>>)
    %dma_wait3A_942 = arith.constant 0 : i32
    %dma_wait3A_943 = arith.constant 0 : i32
    %dma_wait3A_944 = arith.constant 0 : i32
    %dma_wait3A_945 = tpu.memref_slice %arg10[%dma_wait3A_942, %dma_wait3A_943, %dma_wait3A_944] : memref<2x128x128xf32, #tpu.memory_space<vmem>> -> memref<1x128x128xf32, #tpu.memory_space<vmem>>
    %dma_wait3A_946 = tpu.memref_squeeze %dma_wait3A_945 : memref<1x128x128xf32, #tpu.memory_space<vmem>> -> memref<128x128xf32, #tpu.memory_space<vmem>>
    %dma_wait3A_947 = arith.constant 0 : i32
    %dma_wait3A_948 = tpu.memref_slice %arg8[%dma_wait3A_947] : memref<512xi32, #tpu.memory_space<vmem>> -> memref<128xi32, #tpu.memory_space<vmem>>
    %dma_wait3A_949 = arith.constant 0 : i32
    %dma_wait3A_950 = arith.constant 0 : i32
    %dma_wait3A_951 = tpu.memref_slice %arg4[%dma_wait3A_949, %dma_wait3A_950] : memref<507904x128xf32, #tpu.memory_space<hbm>> -> memref<507904x128xf32, #tpu.memory_space<hbm>>
    tpu.wait_indirect_dma semaphore(%arg11 : memref<!tpu.dma_semaphore, #tpu.memory_space<semaphore_mem>>) src(%dma_wait3A_951 : memref<507904x128xf32, #tpu.memory_space<hbm>>) dst(%dma_wait3A_946 : memref<128x128xf32, #tpu.memory_space<vmem>>)
    %add3A_952 = arith.constant 0 : i32
    %add3A_953 = arith.addi %mul3A_2, %add3A_952 : i32
    %dma_start3A_954 = arith.constant 0 : i32
    %dma_start3A_955 = arith.constant 0 : i32
    %dma_start3A_956 = arith.constant 0 : i32
    %dma_start3A_957 = tpu.memref_slice %arg9[%dma_start3A_954, %dma_start3A_955, %dma_start3A_956] : memref<2x128x128xf32, #tpu.memory_space<vmem>> -> memref<1x128x128xf32, #tpu.memory_space<vmem>>
    %dma_start3A_958 = tpu.memref_squeeze %dma_start3A_957 : memref<1x128x128xf32, #tpu.memory_space<vmem>> -> memref<128x128xf32, #tpu.memory_space<vmem>>
    %dma_start3A_959 = arith.constant 0 : i32
    %dma_start3A_960 = tpu.memref_slice %arg5[%add3A_953, %dma_start3A_959] : memref<16384x128xf32, #tpu.memory_space<hbm>> -> memref<128x128xf32, #tpu.memory_space<hbm>>
    %dma_start3A_961 = arith.constant 0 : i32
    %dma_start3A_962 = tpu.memref_slice %arg5[%add3A_953, %dma_start3A_961] : memref<16384x128xf32, #tpu.memory_space<hbm>> -> memref<128x128xf32, #tpu.memory_space<hbm>>
    %dma_start3A_963 = arith.constant 0 : i32
    %dma_start3A_964 = arith.constant 0 : i32
    %dma_start3A_965 = tpu.memref_slice %arg9[%dma_start3A_954, %dma_start3A_963, %dma_start3A_964] : memref<2x128x128xf32, #tpu.memory_space<vmem>> -> memref<1x128x128xf32, #tpu.memory_space<vmem>>
    %dma_start3A_966 = tpu.memref_squeeze %dma_start3A_965 : memref<1x128x128xf32, #tpu.memory_space<vmem>> -> memref<128x128xf32, #tpu.memory_space<vmem>>
    tpu.enqueue_dma source(%dma_start3A_966 : memref<128x128xf32, #tpu.memory_space<vmem>>) target(%dma_start3A_962 : memref<128x128xf32, #tpu.memory_space<hbm>>) target_semaphore(%arg12 : memref<!tpu.dma_semaphore, #tpu.memory_space<semaphore_mem>>)
    %dma_start3A_967 = arith.constant 0 : i32
    %dma_start3A_968 = arith.constant 0 : i32
    %dma_start3A_969 = arith.constant 0 : i32
    %dma_start3A_970 = tpu.memref_slice %arg10[%dma_start3A_967, %dma_start3A_968, %dma_start3A_969] : memref<2x128x128xf32, #tpu.memory_space<vmem>> -> memref<1x128x128xf32, #tpu.memory_space<vmem>>
    %dma_start3A_971 = tpu.memref_squeeze %dma_start3A_970 : memref<1x128x128xf32, #tpu.memory_space<vmem>> -> memref<128x128xf32, #tpu.memory_space<vmem>>
    %dma_start3A_972 = arith.constant 0 : i32
    %dma_start3A_973 = tpu.memref_slice %arg6[%add3A_953, %dma_start3A_972] : memref<16384x128xf32, #tpu.memory_space<hbm>> -> memref<128x128xf32, #tpu.memory_space<hbm>>
    %dma_start3A_974 = arith.constant 0 : i32
    %dma_start3A_975 = tpu.memref_slice %arg6[%add3A_953, %dma_start3A_974] : memref<16384x128xf32, #tpu.memory_space<hbm>> -> memref<128x128xf32, #tpu.memory_space<hbm>>
    %dma_start3A_976 = arith.constant 0 : i32
    %dma_start3A_977 = arith.constant 0 : i32
    %dma_start3A_978 = tpu.memref_slice %arg10[%dma_start3A_967, %dma_start3A_976, %dma_start3A_977] : memref<2x128x128xf32, #tpu.memory_space<vmem>> -> memref<1x128x128xf32, #tpu.memory_space<vmem>>
    %dma_start3A_979 = tpu.memref_squeeze %dma_start3A_978 : memref<1x128x128xf32, #tpu.memory_space<vmem>> -> memref<128x128xf32, #tpu.memory_space<vmem>>
    tpu.enqueue_dma source(%dma_start3A_979 : memref<128x128xf32, #tpu.memory_space<vmem>>) target(%dma_start3A_975 : memref<128x128xf32, #tpu.memory_space<hbm>>) target_semaphore(%arg12 : memref<!tpu.dma_semaphore, #tpu.memory_space<semaphore_mem>>)
    %dma_wait3A_980 = arith.constant 0 : i32
    %dma_wait3A_981 = arith.constant 0 : i32
    %dma_wait3A_982 = arith.constant 0 : i32
    %dma_wait3A_983 = tpu.memref_slice %arg9[%dma_wait3A_980, %dma_wait3A_981, %dma_wait3A_982] : memref<2x128x128xf32, #tpu.memory_space<vmem>> -> memref<1x128x128xf32, #tpu.memory_space<vmem>>
    %dma_wait3A_984 = tpu.memref_squeeze %dma_wait3A_983 : memref<1x128x128xf32, #tpu.memory_space<vmem>> -> memref<128x128xf32, #tpu.memory_space<vmem>>
    %dma_wait3A_985 = arith.constant 0 : i32
    %dma_wait3A_986 = tpu.memref_slice %arg5[%add3A_953, %dma_wait3A_985] : memref<16384x128xf32, #tpu.memory_space<hbm>> -> memref<128x128xf32, #tpu.memory_space<hbm>>
    %dma_wait3A_987 = arith.constant 0 : i32
    %dma_wait3A_988 = tpu.memref_slice %arg5[%add3A_953, %dma_wait3A_987] : memref<16384x128xf32, #tpu.memory_space<hbm>> -> memref<128x128xf32, #tpu.memory_space<hbm>>
    %dma_wait3A_989 = arith.constant 0 : i32
    %dma_wait3A_990 = arith.constant 0 : i32
    %dma_wait3A_991 = tpu.memref_slice %arg9[%dma_wait3A_980, %dma_wait3A_989, %dma_wait3A_990] : memref<2x128x128xf32, #tpu.memory_space<vmem>> -> memref<1x128x128xf32, #tpu.memory_space<vmem>>
    %dma_wait3A_992 = tpu.memref_squeeze %dma_wait3A_991 : memref<1x128x128xf32, #tpu.memory_space<vmem>> -> memref<128x128xf32, #tpu.memory_space<vmem>>
    tpu.wait_dma2 semaphore(%arg12 : memref<!tpu.dma_semaphore, #tpu.memory_space<semaphore_mem>>) src(%dma_wait3A_992 : memref<128x128xf32, #tpu.memory_space<vmem>>) dst(%dma_wait3A_988 : memref<128x128xf32, #tpu.memory_space<hbm>>)
    %dma_wait3A_993 = arith.constant 0 : i32
    %dma_wait3A_994 = arith.constant 0 : i32
    %dma_wait3A_995 = arith.constant 0 : i32
    %dma_wait3A_996 = tpu.memref_slice %arg10[%dma_wait3A_993, %dma_wait3A_994, %dma_wait3A_995] : memref<2x128x128xf32, #tpu.memory_space<vmem>> -> memref<1x128x128xf32, #tpu.memory_space<vmem>>
    %dma_wait3A_997 = tpu.memref_squeeze %dma_wait3A_996 : memref<1x128x128xf32, #tpu.memory_space<vmem>> -> memref<128x128xf32, #tpu.memory_space<vmem>>
    %dma_wait3A_998 = arith.constant 0 : i32
    %dma_wait3A_999 = tpu.memref_slice %arg6[%add3A_953, %dma_wait3A_998] : memref<16384x128xf32, #tpu.memory_space<hbm>> -> memref<128x128xf32, #tpu.memory_space<hbm>>
    %dma_wait3A_1000 = arith.constant 0 : i32
    %dma_wait3A_1001 = tpu.memref_slice %arg6[%add3A_953, %dma_wait3A_1000] : memref<16384x128xf32, #tpu.memory_space<hbm>> -> memref<128x128xf32, #tpu.memory_space<hbm>>
    %dma_wait3A_1002 = arith.constant 0 : i32
    %dma_wait3A_1003 = arith.constant 0 : i32
    %dma_wait3A_1004 = tpu.memref_slice %arg10[%dma_wait3A_993, %dma_wait3A_1002, %dma_wait3A_1003] : memref<2x128x128xf32, #tpu.memory_space<vmem>> -> memref<1x128x128xf32, #tpu.memory_space<vmem>>
    %dma_wait3A_1005 = tpu.memref_squeeze %dma_wait3A_1004 : memref<1x128x128xf32, #tpu.memory_space<vmem>> -> memref<128x128xf32, #tpu.memory_space<vmem>>
    tpu.wait_dma2 semaphore(%arg12 : memref<!tpu.dma_semaphore, #tpu.memory_space<semaphore_mem>>) src(%dma_wait3A_1005 : memref<128x128xf32, #tpu.memory_space<vmem>>) dst(%dma_wait3A_1001 : memref<128x128xf32, #tpu.memory_space<hbm>>)
    %dma_start3A_1006 = arith.constant 0 : i32
    %dma_start3A_1007 = arith.constant 0 : i32
    %dma_start3A_1008 = arith.constant 0 : i32
    %dma_start3A_1009 = tpu.memref_slice %arg9[%dma_start3A_1006, %dma_start3A_1007, %dma_start3A_1008] : memref<2x128x128xf32, #tpu.memory_space<vmem>> -> memref<1x128x128xf32, #tpu.memory_space<vmem>>
    %dma_start3A_1010 = tpu.memref_squeeze %dma_start3A_1009 : memref<1x128x128xf32, #tpu.memory_space<vmem>> -> memref<128x128xf32, #tpu.memory_space<vmem>>
    %dma_start3A_1011 = arith.constant 256 : i32
    %dma_start3A_1012 = tpu.memref_slice %arg7[%dma_start3A_1011] : memref<512xi32, #tpu.memory_space<vmem>> -> memref<128xi32, #tpu.memory_space<vmem>>
    %dma_start3A_1013 = arith.constant 0 : i32
    %dma_start3A_1014 = arith.constant 0 : i32
    %dma_start3A_1015 = tpu.memref_slice %arg4[%dma_start3A_1013, %dma_start3A_1014] : memref<507904x128xf32, #tpu.memory_space<hbm>> -> memref<507904x128xf32, #tpu.memory_space<hbm>>
    tpu.enqueue_indirect_dma source(%dma_start3A_1015 : memref<507904x128xf32, #tpu.memory_space<hbm>>) target(%dma_start3A_1010 : memref<128x128xf32, #tpu.memory_space<vmem>>) offsets(%dma_start3A_1012 : memref<128xi32, #tpu.memory_space<vmem>>) semaphore(%arg11 : memref<!tpu.dma_semaphore, #tpu.memory_space<semaphore_mem>>)
    %dma_start3A_1016 = arith.constant 0 : i32
    %dma_start3A_1017 = arith.constant 0 : i32
    %dma_start3A_1018 = arith.constant 0 : i32
    %dma_start3A_1019 = tpu.memref_slice %arg10[%dma_start3A_1016, %dma_start3A_1017, %dma_start3A_1018] : memref<2x128x128xf32, #tpu.memory_space<vmem>> -> memref<1x128x128xf32, #tpu.memory_space<vmem>>
    %dma_start3A_1020 = tpu.memref_squeeze %dma_start3A_1019 : memref<1x128x128xf32, #tpu.memory_space<vmem>> -> memref<128x128xf32, #tpu.memory_space<vmem>>
    %dma_start3A_1021 = arith.constant 256 : i32
    %dma_start3A_1022 = tpu.memref_slice %arg8[%dma_start3A_1021] : memref<512xi32, #tpu.memory_space<vmem>> -> memref<128xi32, #tpu.memory_space<vmem>>
    %dma_start3A_1023 = arith.constant 0 : i32
    %dma_start3A_1024 = arith.constant 0 : i32
    %dma_start3A_1025 = tpu.memref_slice %arg4[%dma_start3A_1023, %dma_start3A_1024] : memref<507904x128xf32, #tpu.memory_space<hbm>> -> memref<507904x128xf32, #tpu.memory_space<hbm>>
    tpu.enqueue_indirect_dma source(%dma_start3A_1025 : memref<507904x128xf32, #tpu.memory_space<hbm>>) target(%dma_start3A_1020 : memref<128x128xf32, #tpu.memory_space<vmem>>) offsets(%dma_start3A_1022 : memref<128xi32, #tpu.memory_space<vmem>>) semaphore(%arg11 : memref<!tpu.dma_semaphore, #tpu.memory_space<semaphore_mem>>)
    %dma_wait3A_1026 = arith.constant 1 : i32
    %dma_wait3A_1027 = arith.constant 0 : i32
    %dma_wait3A_1028 = arith.constant 0 : i32
    %dma_wait3A_1029 = tpu.memref_slice %arg9[%dma_wait3A_1026, %dma_wait3A_1027, %dma_wait3A_1028] : memref<2x128x128xf32, #tpu.memory_space<vmem>> -> memref<1x128x128xf32, #tpu.memory_space<vmem>>
    %dma_wait3A_1030 = tpu.memref_squeeze %dma_wait3A_1029 : memref<1x128x128xf32, #tpu.memory_space<vmem>> -> memref<128x128xf32, #tpu.memory_space<vmem>>
    %dma_wait3A_1031 = arith.constant 128 : i32
    %dma_wait3A_1032 = tpu.memref_slice %arg7[%dma_wait3A_1031] : memref<512xi32, #tpu.memory_space<vmem>> -> memref<128xi32, #tpu.memory_space<vmem>>
    %dma_wait3A_1033 = arith.constant 0 : i32
    %dma_wait3A_1034 = arith.constant 0 : i32
    %dma_wait3A_1035 = tpu.memref_slice %arg4[%dma_wait3A_1033, %dma_wait3A_1034] : memref<507904x128xf32, #tpu.memory_space<hbm>> -> memref<507904x128xf32, #tpu.memory_space<hbm>>
    tpu.wait_indirect_dma semaphore(%arg11 : memref<!tpu.dma_semaphore, #tpu.memory_space<semaphore_mem>>) src(%dma_wait3A_1035 : memref<507904x128xf32, #tpu.memory_space<hbm>>) dst(%dma_wait3A_1030 : memref<128x128xf32, #tpu.memory_space<vmem>>)
    %dma_wait3A_1036 = arith.constant 1 : i32
    %dma_wait3A_1037 = arith.constant 0 : i32
    %dma_wait3A_1038 = arith.constant 0 : i32
    %dma_wait3A_1039 = tpu.memref_slice %arg10[%dma_wait3A_1036, %dma_wait3A_1037, %dma_wait3A_1038] : memref<2x128x128xf32, #tpu.memory_space<vmem>> -> memref<1x128x128xf32, #tpu.memory_space<vmem>>
    %dma_wait3A_1040 = tpu.memref_squeeze %dma_wait3A_1039 : memref<1x128x128xf32, #tpu.memory_space<vmem>> -> memref<128x128xf32, #tpu.memory_space<vmem>>
    %dma_wait3A_1041 = arith.constant 128 : i32
    %dma_wait3A_1042 = tpu.memref_slice %arg8[%dma_wait3A_1041] : memref<512xi32, #tpu.memory_space<vmem>> -> memref<128xi32, #tpu.memory_space<vmem>>
    %dma_wait3A_1043 = arith.constant 0 : i32
    %dma_wait3A_1044 = arith.constant 0 : i32
    %dma_wait3A_1045 = tpu.memref_slice %arg4[%dma_wait3A_1043, %dma_wait3A_1044] : memref<507904x128xf32, #tpu.memory_space<hbm>> -> memref<507904x128xf32, #tpu.memory_space<hbm>>
    tpu.wait_indirect_dma semaphore(%arg11 : memref<!tpu.dma_semaphore, #tpu.memory_space<semaphore_mem>>) src(%dma_wait3A_1045 : memref<507904x128xf32, #tpu.memory_space<hbm>>) dst(%dma_wait3A_1040 : memref<128x128xf32, #tpu.memory_space<vmem>>)
    %add3A_1046 = arith.constant 128 : i32
    %add3A_1047 = arith.addi %mul3A_2, %add3A_1046 : i32
    %dma_start3A_1048 = arith.constant 1 : i32
    %dma_start3A_1049 = arith.constant 0 : i32
    %dma_start3A_1050 = arith.constant 0 : i32
    %dma_start3A_1051 = tpu.memref_slice %arg9[%dma_start3A_1048, %dma_start3A_1049, %dma_start3A_1050] : memref<2x128x128xf32, #tpu.memory_space<vmem>> -> memref<1x128x128xf32, #tpu.memory_space<vmem>>
    %dma_start3A_1052 = tpu.memref_squeeze %dma_start3A_1051 : memref<1x128x128xf32, #tpu.memory_space<vmem>> -> memref<128x128xf32, #tpu.memory_space<vmem>>
    %dma_start3A_1053 = arith.constant 0 : i32
    %dma_start3A_1054 = tpu.memref_slice %arg5[%add3A_1047, %dma_start3A_1053] : memref<16384x128xf32, #tpu.memory_space<hbm>> -> memref<128x128xf32, #tpu.memory_space<hbm>>
    %dma_start3A_1055 = arith.constant 0 : i32
    %dma_start3A_1056 = tpu.memref_slice %arg5[%add3A_1047, %dma_start3A_1055] : memref<16384x128xf32, #tpu.memory_space<hbm>> -> memref<128x128xf32, #tpu.memory_space<hbm>>
    %dma_start3A_1057 = arith.constant 0 : i32
    %dma_start3A_1058 = arith.constant 0 : i32
    %dma_start3A_1059 = tpu.memref_slice %arg9[%dma_start3A_1048, %dma_start3A_1057, %dma_start3A_1058] : memref<2x128x128xf32, #tpu.memory_space<vmem>> -> memref<1x128x128xf32, #tpu.memory_space<vmem>>
    %dma_start3A_1060 = tpu.memref_squeeze %dma_start3A_1059 : memref<1x128x128xf32, #tpu.memory_space<vmem>> -> memref<128x128xf32, #tpu.memory_space<vmem>>
    tpu.enqueue_dma source(%dma_start3A_1060 : memref<128x128xf32, #tpu.memory_space<vmem>>) target(%dma_start3A_1056 : memref<128x128xf32, #tpu.memory_space<hbm>>) target_semaphore(%arg12 : memref<!tpu.dma_semaphore, #tpu.memory_space<semaphore_mem>>)
    %dma_start3A_1061 = arith.constant 1 : i32
    %dma_start3A_1062 = arith.constant 0 : i32
    %dma_start3A_1063 = arith.constant 0 : i32
    %dma_start3A_1064 = tpu.memref_slice %arg10[%dma_start3A_1061, %dma_start3A_1062, %dma_start3A_1063] : memref<2x128x128xf32, #tpu.memory_space<vmem>> -> memref<1x128x128xf32, #tpu.memory_space<vmem>>
    %dma_start3A_1065 = tpu.memref_squeeze %dma_start3A_1064 : memref<1x128x128xf32, #tpu.memory_space<vmem>> -> memref<128x128xf32, #tpu.memory_space<vmem>>
    %dma_start3A_1066 = arith.constant 0 : i32
    %dma_start3A_1067 = tpu.memref_slice %arg6[%add3A_1047, %dma_start3A_1066] : memref<16384x128xf32, #tpu.memory_space<hbm>> -> memref<128x128xf32, #tpu.memory_space<hbm>>
    %dma_start3A_1068 = arith.constant 0 : i32
    %dma_start3A_1069 = tpu.memref_slice %arg6[%add3A_1047, %dma_start3A_1068] : memref<16384x128xf32, #tpu.memory_space<hbm>> -> memref<128x128xf32, #tpu.memory_space<hbm>>
    %dma_start3A_1070 = arith.constant 0 : i32
    %dma_start3A_1071 = arith.constant 0 : i32
    %dma_start3A_1072 = tpu.memref_slice %arg10[%dma_start3A_1061, %dma_start3A_1070, %dma_start3A_1071] : memref<2x128x128xf32, #tpu.memory_space<vmem>> -> memref<1x128x128xf32, #tpu.memory_space<vmem>>
    %dma_start3A_1073 = tpu.memref_squeeze %dma_start3A_1072 : memref<1x128x128xf32, #tpu.memory_space<vmem>> -> memref<128x128xf32, #tpu.memory_space<vmem>>
    tpu.enqueue_dma source(%dma_start3A_1073 : memref<128x128xf32, #tpu.memory_space<vmem>>) target(%dma_start3A_1069 : memref<128x128xf32, #tpu.memory_space<hbm>>) target_semaphore(%arg12 : memref<!tpu.dma_semaphore, #tpu.memory_space<semaphore_mem>>)
    %dma_wait3A_1074 = arith.constant 1 : i32
    %dma_wait3A_1075 = arith.constant 0 : i32
    %dma_wait3A_1076 = arith.constant 0 : i32
    %dma_wait3A_1077 = tpu.memref_slice %arg9[%dma_wait3A_1074, %dma_wait3A_1075, %dma_wait3A_1076] : memref<2x128x128xf32, #tpu.memory_space<vmem>> -> memref<1x128x128xf32, #tpu.memory_space<vmem>>
    %dma_wait3A_1078 = tpu.memref_squeeze %dma_wait3A_1077 : memref<1x128x128xf32, #tpu.memory_space<vmem>> -> memref<128x128xf32, #tpu.memory_space<vmem>>
    %dma_wait3A_1079 = arith.constant 0 : i32
    %dma_wait3A_1080 = tpu.memref_slice %arg5[%add3A_1047, %dma_wait3A_1079] : memref<16384x128xf32, #tpu.memory_space<hbm>> -> memref<128x128xf32, #tpu.memory_space<hbm>>
    %dma_wait3A_1081 = arith.constant 0 : i32
    %dma_wait3A_1082 = tpu.memref_slice %arg5[%add3A_1047, %dma_wait3A_1081] : memref<16384x128xf32, #tpu.memory_space<hbm>> -> memref<128x128xf32, #tpu.memory_space<hbm>>
    %dma_wait3A_1083 = arith.constant 0 : i32
    %dma_wait3A_1084 = arith.constant 0 : i32
    %dma_wait3A_1085 = tpu.memref_slice %arg9[%dma_wait3A_1074, %dma_wait3A_1083, %dma_wait3A_1084] : memref<2x128x128xf32, #tpu.memory_space<vmem>> -> memref<1x128x128xf32, #tpu.memory_space<vmem>>
    %dma_wait3A_1086 = tpu.memref_squeeze %dma_wait3A_1085 : memref<1x128x128xf32, #tpu.memory_space<vmem>> -> memref<128x128xf32, #tpu.memory_space<vmem>>
    tpu.wait_dma2 semaphore(%arg12 : memref<!tpu.dma_semaphore, #tpu.memory_space<semaphore_mem>>) src(%dma_wait3A_1086 : memref<128x128xf32, #tpu.memory_space<vmem>>) dst(%dma_wait3A_1082 : memref<128x128xf32, #tpu.memory_space<hbm>>)
    %dma_wait3A_1087 = arith.constant 1 : i32
    %dma_wait3A_1088 = arith.constant 0 : i32
    %dma_wait3A_1089 = arith.constant 0 : i32
    %dma_wait3A_1090 = tpu.memref_slice %arg10[%dma_wait3A_1087, %dma_wait3A_1088, %dma_wait3A_1089] : memref<2x128x128xf32, #tpu.memory_space<vmem>> -> memref<1x128x128xf32, #tpu.memory_space<vmem>>
    %dma_wait3A_1091 = tpu.memref_squeeze %dma_wait3A_1090 : memref<1x128x128xf32, #tpu.memory_space<vmem>> -> memref<128x128xf32, #tpu.memory_space<vmem>>
    %dma_wait3A_1092 = arith.constant 0 : i32
    %dma_wait3A_1093 = tpu.memref_slice %arg6[%add3A_1047, %dma_wait3A_1092] : memref<16384x128xf32, #tpu.memory_space<hbm>> -> memref<128x128xf32, #tpu.memory_space<hbm>>
    %dma_wait3A_1094 = arith.constant 0 : i32
    %dma_wait3A_1095 = tpu.memref_slice %arg6[%add3A_1047, %dma_wait3A_1094] : memref<16384x128xf32, #tpu.memory_space<hbm>> -> memref<128x128xf32, #tpu.memory_space<hbm>>
    %dma_wait3A_1096 = arith.constant 0 : i32
    %dma_wait3A_1097 = arith.constant 0 : i32
    %dma_wait3A_1098 = tpu.memref_slice %arg10[%dma_wait3A_1087, %dma_wait3A_1096, %dma_wait3A_1097] : memref<2x128x128xf32, #tpu.memory_space<vmem>> -> memref<1x128x128xf32, #tpu.memory_space<vmem>>
    %dma_wait3A_1099 = tpu.memref_squeeze %dma_wait3A_1098 : memref<1x128x128xf32, #tpu.memory_space<vmem>> -> memref<128x128xf32, #tpu.memory_space<vmem>>
    tpu.wait_dma2 semaphore(%arg12 : memref<!tpu.dma_semaphore, #tpu.memory_space<semaphore_mem>>) src(%dma_wait3A_1099 : memref<128x128xf32, #tpu.memory_space<vmem>>) dst(%dma_wait3A_1095 : memref<128x128xf32, #tpu.memory_space<hbm>>)
    %dma_start3A_1100 = arith.constant 1 : i32
    %dma_start3A_1101 = arith.constant 0 : i32
    %dma_start3A_1102 = arith.constant 0 : i32
    %dma_start3A_1103 = tpu.memref_slice %arg9[%dma_start3A_1100, %dma_start3A_1101, %dma_start3A_1102] : memref<2x128x128xf32, #tpu.memory_space<vmem>> -> memref<1x128x128xf32, #tpu.memory_space<vmem>>
    %dma_start3A_1104 = tpu.memref_squeeze %dma_start3A_1103 : memref<1x128x128xf32, #tpu.memory_space<vmem>> -> memref<128x128xf32, #tpu.memory_space<vmem>>
    %dma_start3A_1105 = arith.constant 384 : i32
    %dma_start3A_1106 = tpu.memref_slice %arg7[%dma_start3A_1105] : memref<512xi32, #tpu.memory_space<vmem>> -> memref<128xi32, #tpu.memory_space<vmem>>
    %dma_start3A_1107 = arith.constant 0 : i32
    %dma_start3A_1108 = arith.constant 0 : i32
    %dma_start3A_1109 = tpu.memref_slice %arg4[%dma_start3A_1107, %dma_start3A_1108] : memref<507904x128xf32, #tpu.memory_space<hbm>> -> memref<507904x128xf32, #tpu.memory_space<hbm>>
    tpu.enqueue_indirect_dma source(%dma_start3A_1109 : memref<507904x128xf32, #tpu.memory_space<hbm>>) target(%dma_start3A_1104 : memref<128x128xf32, #tpu.memory_space<vmem>>) offsets(%dma_start3A_1106 : memref<128xi32, #tpu.memory_space<vmem>>) semaphore(%arg11 : memref<!tpu.dma_semaphore, #tpu.memory_space<semaphore_mem>>)
    %dma_start3A_1110 = arith.constant 1 : i32
    %dma_start3A_1111 = arith.constant 0 : i32
    %dma_start3A_1112 = arith.constant 0 : i32
    %dma_start3A_1113 = tpu.memref_slice %arg10[%dma_start3A_1110, %dma_start3A_1111, %dma_start3A_1112] : memref<2x128x128xf32, #tpu.memory_space<vmem>> -> memref<1x128x128xf32, #tpu.memory_space<vmem>>
    %dma_start3A_1114 = tpu.memref_squeeze %dma_start3A_1113 : memref<1x128x128xf32, #tpu.memory_space<vmem>> -> memref<128x128xf32, #tpu.memory_space<vmem>>
    %dma_start3A_1115 = arith.constant 384 : i32
    %dma_start3A_1116 = tpu.memref_slice %arg8[%dma_start3A_1115] : memref<512xi32, #tpu.memory_space<vmem>> -> memref<128xi32, #tpu.memory_space<vmem>>
    %dma_start3A_1117 = arith.constant 0 : i32
    %dma_start3A_1118 = arith.constant 0 : i32
    %dma_start3A_1119 = tpu.memref_slice %arg4[%dma_start3A_1117, %dma_start3A_1118] : memref<507904x128xf32, #tpu.memory_space<hbm>> -> memref<507904x128xf32, #tpu.memory_space<hbm>>
    tpu.enqueue_indirect_dma source(%dma_start3A_1119 : memref<507904x128xf32, #tpu.memory_space<hbm>>) target(%dma_start3A_1114 : memref<128x128xf32, #tpu.memory_space<vmem>>) offsets(%dma_start3A_1116 : memref<128xi32, #tpu.memory_space<vmem>>) semaphore(%arg11 : memref<!tpu.dma_semaphore, #tpu.memory_space<semaphore_mem>>)
    %dma_wait3A_1120 = arith.constant 0 : i32
    %dma_wait3A_1121 = arith.constant 0 : i32
    %dma_wait3A_1122 = arith.constant 0 : i32
    %dma_wait3A_1123 = tpu.memref_slice %arg9[%dma_wait3A_1120, %dma_wait3A_1121, %dma_wait3A_1122] : memref<2x128x128xf32, #tpu.memory_space<vmem>> -> memref<1x128x128xf32, #tpu.memory_space<vmem>>
    %dma_wait3A_1124 = tpu.memref_squeeze %dma_wait3A_1123 : memref<1x128x128xf32, #tpu.memory_space<vmem>> -> memref<128x128xf32, #tpu.memory_space<vmem>>
    %dma_wait3A_1125 = arith.constant 256 : i32
    %dma_wait3A_1126 = tpu.memref_slice %arg7[%dma_wait3A_1125] : memref<512xi32, #tpu.memory_space<vmem>> -> memref<128xi32, #tpu.memory_space<vmem>>
    %dma_wait3A_1127 = arith.constant 0 : i32
    %dma_wait3A_1128 = arith.constant 0 : i32
    %dma_wait3A_1129 = tpu.memref_slice %arg4[%dma_wait3A_1127, %dma_wait3A_1128] : memref<507904x128xf32, #tpu.memory_space<hbm>> -> memref<507904x128xf32, #tpu.memory_space<hbm>>
    tpu.wait_indirect_dma semaphore(%arg11 : memref<!tpu.dma_semaphore, #tpu.memory_space<semaphore_mem>>) src(%dma_wait3A_1129 : memref<507904x128xf32, #tpu.memory_space<hbm>>) dst(%dma_wait3A_1124 : memref<128x128xf32, #tpu.memory_space<vmem>>)
    %dma_wait3A_1130 = arith.constant 0 : i32
    %dma_wait3A_1131 = arith.constant 0 : i32
    %dma_wait3A_1132 = arith.constant 0 : i32
    %dma_wait3A_1133 = tpu.memref_slice %arg10[%dma_wait3A_1130, %dma_wait3A_1131, %dma_wait3A_1132] : memref<2x128x128xf32, #tpu.memory_space<vmem>> -> memref<1x128x128xf32, #tpu.memory_space<vmem>>
    %dma_wait3A_1134 = tpu.memref_squeeze %dma_wait3A_1133 : memref<1x128x128xf32, #tpu.memory_space<vmem>> -> memref<128x128xf32, #tpu.memory_space<vmem>>
    %dma_wait3A_1135 = arith.constant 256 : i32
    %dma_wait3A_1136 = tpu.memref_slice %arg8[%dma_wait3A_1135] : memref<512xi32, #tpu.memory_space<vmem>> -> memref<128xi32, #tpu.memory_space<vmem>>
    %dma_wait3A_1137 = arith.constant 0 : i32
    %dma_wait3A_1138 = arith.constant 0 : i32
    %dma_wait3A_1139 = tpu.memref_slice %arg4[%dma_wait3A_1137, %dma_wait3A_1138] : memref<507904x128xf32, #tpu.memory_space<hbm>> -> memref<507904x128xf32, #tpu.memory_space<hbm>>
    tpu.wait_indirect_dma semaphore(%arg11 : memref<!tpu.dma_semaphore, #tpu.memory_space<semaphore_mem>>) src(%dma_wait3A_1139 : memref<507904x128xf32, #tpu.memory_space<hbm>>) dst(%dma_wait3A_1134 : memref<128x128xf32, #tpu.memory_space<vmem>>)
    %add3A_1140 = arith.constant 256 : i32
    %add3A_1141 = arith.addi %mul3A_2, %add3A_1140 : i32
    %dma_start3A_1142 = arith.constant 0 : i32
    %dma_start3A_1143 = arith.constant 0 : i32
    %dma_start3A_1144 = arith.constant 0 : i32
    %dma_start3A_1145 = tpu.memref_slice %arg9[%dma_start3A_1142, %dma_start3A_1143, %dma_start3A_1144] : memref<2x128x128xf32, #tpu.memory_space<vmem>> -> memref<1x128x128xf32, #tpu.memory_space<vmem>>
    %dma_start3A_1146 = tpu.memref_squeeze %dma_start3A_1145 : memref<1x128x128xf32, #tpu.memory_space<vmem>> -> memref<128x128xf32, #tpu.memory_space<vmem>>
    %dma_start3A_1147 = arith.constant 0 : i32
    %dma_start3A_1148 = tpu.memref_slice %arg5[%add3A_1141, %dma_start3A_1147] : memref<16384x128xf32, #tpu.memory_space<hbm>> -> memref<128x128xf32, #tpu.memory_space<hbm>>
    %dma_start3A_1149 = arith.constant 0 : i32
    %dma_start3A_1150 = tpu.memref_slice %arg5[%add3A_1141, %dma_start3A_1149] : memref<16384x128xf32, #tpu.memory_space<hbm>> -> memref<128x128xf32, #tpu.memory_space<hbm>>
    %dma_start3A_1151 = arith.constant 0 : i32
    %dma_start3A_1152 = arith.constant 0 : i32
    %dma_start3A_1153 = tpu.memref_slice %arg9[%dma_start3A_1142, %dma_start3A_1151, %dma_start3A_1152] : memref<2x128x128xf32, #tpu.memory_space<vmem>> -> memref<1x128x128xf32, #tpu.memory_space<vmem>>
    %dma_start3A_1154 = tpu.memref_squeeze %dma_start3A_1153 : memref<1x128x128xf32, #tpu.memory_space<vmem>> -> memref<128x128xf32, #tpu.memory_space<vmem>>
    tpu.enqueue_dma source(%dma_start3A_1154 : memref<128x128xf32, #tpu.memory_space<vmem>>) target(%dma_start3A_1150 : memref<128x128xf32, #tpu.memory_space<hbm>>) target_semaphore(%arg12 : memref<!tpu.dma_semaphore, #tpu.memory_space<semaphore_mem>>)
    %dma_start3A_1155 = arith.constant 0 : i32
    %dma_start3A_1156 = arith.constant 0 : i32
    %dma_start3A_1157 = arith.constant 0 : i32
    %dma_start3A_1158 = tpu.memref_slice %arg10[%dma_start3A_1155, %dma_start3A_1156, %dma_start3A_1157] : memref<2x128x128xf32, #tpu.memory_space<vmem>> -> memref<1x128x128xf32, #tpu.memory_space<vmem>>
    %dma_start3A_1159 = tpu.memref_squeeze %dma_start3A_1158 : memref<1x128x128xf32, #tpu.memory_space<vmem>> -> memref<128x128xf32, #tpu.memory_space<vmem>>
    %dma_start3A_1160 = arith.constant 0 : i32
    %dma_start3A_1161 = tpu.memref_slice %arg6[%add3A_1141, %dma_start3A_1160] : memref<16384x128xf32, #tpu.memory_space<hbm>> -> memref<128x128xf32, #tpu.memory_space<hbm>>
    %dma_start3A_1162 = arith.constant 0 : i32
    %dma_start3A_1163 = tpu.memref_slice %arg6[%add3A_1141, %dma_start3A_1162] : memref<16384x128xf32, #tpu.memory_space<hbm>> -> memref<128x128xf32, #tpu.memory_space<hbm>>
    %dma_start3A_1164 = arith.constant 0 : i32
    %dma_start3A_1165 = arith.constant 0 : i32
    %dma_start3A_1166 = tpu.memref_slice %arg10[%dma_start3A_1155, %dma_start3A_1164, %dma_start3A_1165] : memref<2x128x128xf32, #tpu.memory_space<vmem>> -> memref<1x128x128xf32, #tpu.memory_space<vmem>>
    %dma_start3A_1167 = tpu.memref_squeeze %dma_start3A_1166 : memref<1x128x128xf32, #tpu.memory_space<vmem>> -> memref<128x128xf32, #tpu.memory_space<vmem>>
    tpu.enqueue_dma source(%dma_start3A_1167 : memref<128x128xf32, #tpu.memory_space<vmem>>) target(%dma_start3A_1163 : memref<128x128xf32, #tpu.memory_space<hbm>>) target_semaphore(%arg12 : memref<!tpu.dma_semaphore, #tpu.memory_space<semaphore_mem>>)
    %dma_wait3A_1168 = arith.constant 1 : i32
    %dma_wait3A_1169 = arith.constant 0 : i32
    %dma_wait3A_1170 = arith.constant 0 : i32
    %dma_wait3A_1171 = tpu.memref_slice %arg9[%dma_wait3A_1168, %dma_wait3A_1169, %dma_wait3A_1170] : memref<2x128x128xf32, #tpu.memory_space<vmem>> -> memref<1x128x128xf32, #tpu.memory_space<vmem>>
    %dma_wait3A_1172 = tpu.memref_squeeze %dma_wait3A_1171 : memref<1x128x128xf32, #tpu.memory_space<vmem>> -> memref<128x128xf32, #tpu.memory_space<vmem>>
    %dma_wait3A_1173 = arith.constant 384 : i32
    %dma_wait3A_1174 = tpu.memref_slice %arg7[%dma_wait3A_1173] : memref<512xi32, #tpu.memory_space<vmem>> -> memref<128xi32, #tpu.memory_space<vmem>>
    %dma_wait3A_1175 = arith.constant 0 : i32
    %dma_wait3A_1176 = arith.constant 0 : i32
    %dma_wait3A_1177 = tpu.memref_slice %arg4[%dma_wait3A_1175, %dma_wait3A_1176] : memref<507904x128xf32, #tpu.memory_space<hbm>> -> memref<507904x128xf32, #tpu.memory_space<hbm>>
    tpu.wait_indirect_dma semaphore(%arg11 : memref<!tpu.dma_semaphore, #tpu.memory_space<semaphore_mem>>) src(%dma_wait3A_1177 : memref<507904x128xf32, #tpu.memory_space<hbm>>) dst(%dma_wait3A_1172 : memref<128x128xf32, #tpu.memory_space<vmem>>)
    %dma_wait3A_1178 = arith.constant 1 : i32
    %dma_wait3A_1179 = arith.constant 0 : i32
    %dma_wait3A_1180 = arith.constant 0 : i32
    %dma_wait3A_1181 = tpu.memref_slice %arg10[%dma_wait3A_1178, %dma_wait3A_1179, %dma_wait3A_1180] : memref<2x128x128xf32, #tpu.memory_space<vmem>> -> memref<1x128x128xf32, #tpu.memory_space<vmem>>
    %dma_wait3A_1182 = tpu.memref_squeeze %dma_wait3A_1181 : memref<1x128x128xf32, #tpu.memory_space<vmem>> -> memref<128x128xf32, #tpu.memory_space<vmem>>
    %dma_wait3A_1183 = arith.constant 384 : i32
    %dma_wait3A_1184 = tpu.memref_slice %arg8[%dma_wait3A_1183] : memref<512xi32, #tpu.memory_space<vmem>> -> memref<128xi32, #tpu.memory_space<vmem>>
    %dma_wait3A_1185 = arith.constant 0 : i32
    %dma_wait3A_1186 = arith.constant 0 : i32
    %dma_wait3A_1187 = tpu.memref_slice %arg4[%dma_wait3A_1185, %dma_wait3A_1186] : memref<507904x128xf32, #tpu.memory_space<hbm>> -> memref<507904x128xf32, #tpu.memory_space<hbm>>
    tpu.wait_indirect_dma semaphore(%arg11 : memref<!tpu.dma_semaphore, #tpu.memory_space<semaphore_mem>>) src(%dma_wait3A_1187 : memref<507904x128xf32, #tpu.memory_space<hbm>>) dst(%dma_wait3A_1182 : memref<128x128xf32, #tpu.memory_space<vmem>>)
    %add3A_1188 = arith.constant 384 : i32
    %add3A_1189 = arith.addi %mul3A_2, %add3A_1188 : i32
    %dma_start3A_1190 = arith.constant 1 : i32
    %dma_start3A_1191 = arith.constant 0 : i32
    %dma_start3A_1192 = arith.constant 0 : i32
    %dma_start3A_1193 = tpu.memref_slice %arg9[%dma_start3A_1190, %dma_start3A_1191, %dma_start3A_1192] : memref<2x128x128xf32, #tpu.memory_space<vmem>> -> memref<1x128x128xf32, #tpu.memory_space<vmem>>
    %dma_start3A_1194 = tpu.memref_squeeze %dma_start3A_1193 : memref<1x128x128xf32, #tpu.memory_space<vmem>> -> memref<128x128xf32, #tpu.memory_space<vmem>>
    %dma_start3A_1195 = arith.constant 0 : i32
    %dma_start3A_1196 = tpu.memref_slice %arg5[%add3A_1189, %dma_start3A_1195] : memref<16384x128xf32, #tpu.memory_space<hbm>> -> memref<128x128xf32, #tpu.memory_space<hbm>>
    %dma_start3A_1197 = arith.constant 0 : i32
    %dma_start3A_1198 = tpu.memref_slice %arg5[%add3A_1189, %dma_start3A_1197] : memref<16384x128xf32, #tpu.memory_space<hbm>> -> memref<128x128xf32, #tpu.memory_space<hbm>>
    %dma_start3A_1199 = arith.constant 0 : i32
    %dma_start3A_1200 = arith.constant 0 : i32
    %dma_start3A_1201 = tpu.memref_slice %arg9[%dma_start3A_1190, %dma_start3A_1199, %dma_start3A_1200] : memref<2x128x128xf32, #tpu.memory_space<vmem>> -> memref<1x128x128xf32, #tpu.memory_space<vmem>>
    %dma_start3A_1202 = tpu.memref_squeeze %dma_start3A_1201 : memref<1x128x128xf32, #tpu.memory_space<vmem>> -> memref<128x128xf32, #tpu.memory_space<vmem>>
    tpu.enqueue_dma source(%dma_start3A_1202 : memref<128x128xf32, #tpu.memory_space<vmem>>) target(%dma_start3A_1198 : memref<128x128xf32, #tpu.memory_space<hbm>>) target_semaphore(%arg12 : memref<!tpu.dma_semaphore, #tpu.memory_space<semaphore_mem>>)
    %dma_start3A_1203 = arith.constant 1 : i32
    %dma_start3A_1204 = arith.constant 0 : i32
    %dma_start3A_1205 = arith.constant 0 : i32
    %dma_start3A_1206 = tpu.memref_slice %arg10[%dma_start3A_1203, %dma_start3A_1204, %dma_start3A_1205] : memref<2x128x128xf32, #tpu.memory_space<vmem>> -> memref<1x128x128xf32, #tpu.memory_space<vmem>>
    %dma_start3A_1207 = tpu.memref_squeeze %dma_start3A_1206 : memref<1x128x128xf32, #tpu.memory_space<vmem>> -> memref<128x128xf32, #tpu.memory_space<vmem>>
    %dma_start3A_1208 = arith.constant 0 : i32
    %dma_start3A_1209 = tpu.memref_slice %arg6[%add3A_1189, %dma_start3A_1208] : memref<16384x128xf32, #tpu.memory_space<hbm>> -> memref<128x128xf32, #tpu.memory_space<hbm>>
    %dma_start3A_1210 = arith.constant 0 : i32
    %dma_start3A_1211 = tpu.memref_slice %arg6[%add3A_1189, %dma_start3A_1210] : memref<16384x128xf32, #tpu.memory_space<hbm>> -> memref<128x128xf32, #tpu.memory_space<hbm>>
    %dma_start3A_1212 = arith.constant 0 : i32
    %dma_start3A_1213 = arith.constant 0 : i32
    %dma_start3A_1214 = tpu.memref_slice %arg10[%dma_start3A_1203, %dma_start3A_1212, %dma_start3A_1213] : memref<2x128x128xf32, #tpu.memory_space<vmem>> -> memref<1x128x128xf32, #tpu.memory_space<vmem>>
    %dma_start3A_1215 = tpu.memref_squeeze %dma_start3A_1214 : memref<1x128x128xf32, #tpu.memory_space<vmem>> -> memref<128x128xf32, #tpu.memory_space<vmem>>
    tpu.enqueue_dma source(%dma_start3A_1215 : memref<128x128xf32, #tpu.memory_space<vmem>>) target(%dma_start3A_1211 : memref<128x128xf32, #tpu.memory_space<hbm>>) target_semaphore(%arg12 : memref<!tpu.dma_semaphore, #tpu.memory_space<semaphore_mem>>)
    %dma_wait3A_1216 = arith.constant 0 : i32
    %dma_wait3A_1217 = arith.constant 0 : i32
    %dma_wait3A_1218 = arith.constant 0 : i32
    %dma_wait3A_1219 = tpu.memref_slice %arg9[%dma_wait3A_1216, %dma_wait3A_1217, %dma_wait3A_1218] : memref<2x128x128xf32, #tpu.memory_space<vmem>> -> memref<1x128x128xf32, #tpu.memory_space<vmem>>
    %dma_wait3A_1220 = tpu.memref_squeeze %dma_wait3A_1219 : memref<1x128x128xf32, #tpu.memory_space<vmem>> -> memref<128x128xf32, #tpu.memory_space<vmem>>
    %dma_wait3A_1221 = arith.constant 0 : i32
    %dma_wait3A_1222 = tpu.memref_slice %arg5[%add3A_1141, %dma_wait3A_1221] : memref<16384x128xf32, #tpu.memory_space<hbm>> -> memref<128x128xf32, #tpu.memory_space<hbm>>
    %dma_wait3A_1223 = arith.constant 0 : i32
    %dma_wait3A_1224 = tpu.memref_slice %arg5[%add3A_1141, %dma_wait3A_1223] : memref<16384x128xf32, #tpu.memory_space<hbm>> -> memref<128x128xf32, #tpu.memory_space<hbm>>
    %dma_wait3A_1225 = arith.constant 0 : i32
    %dma_wait3A_1226 = arith.constant 0 : i32
    %dma_wait3A_1227 = tpu.memref_slice %arg9[%dma_wait3A_1216, %dma_wait3A_1225, %dma_wait3A_1226] : memref<2x128x128xf32, #tpu.memory_space<vmem>> -> memref<1x128x128xf32, #tpu.memory_space<vmem>>
    %dma_wait3A_1228 = tpu.memref_squeeze %dma_wait3A_1227 : memref<1x128x128xf32, #tpu.memory_space<vmem>> -> memref<128x128xf32, #tpu.memory_space<vmem>>
    tpu.wait_dma2 semaphore(%arg12 : memref<!tpu.dma_semaphore, #tpu.memory_space<semaphore_mem>>) src(%dma_wait3A_1228 : memref<128x128xf32, #tpu.memory_space<vmem>>) dst(%dma_wait3A_1224 : memref<128x128xf32, #tpu.memory_space<hbm>>)
    %dma_wait3A_1229 = arith.constant 0 : i32
    %dma_wait3A_1230 = arith.constant 0 : i32
    %dma_wait3A_1231 = arith.constant 0 : i32
    %dma_wait3A_1232 = tpu.memref_slice %arg10[%dma_wait3A_1229, %dma_wait3A_1230, %dma_wait3A_1231] : memref<2x128x128xf32, #tpu.memory_space<vmem>> -> memref<1x128x128xf32, #tpu.memory_space<vmem>>
    %dma_wait3A_1233 = tpu.memref_squeeze %dma_wait3A_1232 : memref<1x128x128xf32, #tpu.memory_space<vmem>> -> memref<128x128xf32, #tpu.memory_space<vmem>>
    %dma_wait3A_1234 = arith.constant 0 : i32
    %dma_wait3A_1235 = tpu.memref_slice %arg6[%add3A_1141, %dma_wait3A_1234] : memref<16384x128xf32, #tpu.memory_space<hbm>> -> memref<128x128xf32, #tpu.memory_space<hbm>>
    %dma_wait3A_1236 = arith.constant 0 : i32
    %dma_wait3A_1237 = tpu.memref_slice %arg6[%add3A_1141, %dma_wait3A_1236] : memref<16384x128xf32, #tpu.memory_space<hbm>> -> memref<128x128xf32, #tpu.memory_space<hbm>>
    %dma_wait3A_1238 = arith.constant 0 : i32
    %dma_wait3A_1239 = arith.constant 0 : i32
    %dma_wait3A_1240 = tpu.memref_slice %arg10[%dma_wait3A_1229, %dma_wait3A_1238, %dma_wait3A_1239] : memref<2x128x128xf32, #tpu.memory_space<vmem>> -> memref<1x128x128xf32, #tpu.memory_space<vmem>>
    %dma_wait3A_1241 = tpu.memref_squeeze %dma_wait3A_1240 : memref<1x128x128xf32, #tpu.memory_space<vmem>> -> memref<128x128xf32, #tpu.memory_space<vmem>>
    tpu.wait_dma2 semaphore(%arg12 : memref<!tpu.dma_semaphore, #tpu.memory_space<semaphore_mem>>) src(%dma_wait3A_1241 : memref<128x128xf32, #tpu.memory_space<vmem>>) dst(%dma_wait3A_1237 : memref<128x128xf32, #tpu.memory_space<hbm>>)
    %dma_wait3A_1242 = arith.constant 1 : i32
    %dma_wait3A_1243 = arith.constant 0 : i32
    %dma_wait3A_1244 = arith.constant 0 : i32
    %dma_wait3A_1245 = tpu.memref_slice %arg9[%dma_wait3A_1242, %dma_wait3A_1243, %dma_wait3A_1244] : memref<2x128x128xf32, #tpu.memory_space<vmem>> -> memref<1x128x128xf32, #tpu.memory_space<vmem>>
    %dma_wait3A_1246 = tpu.memref_squeeze %dma_wait3A_1245 : memref<1x128x128xf32, #tpu.memory_space<vmem>> -> memref<128x128xf32, #tpu.memory_space<vmem>>
    %dma_wait3A_1247 = arith.constant 0 : i32
    %dma_wait3A_1248 = tpu.memref_slice %arg5[%add3A_1189, %dma_wait3A_1247] : memref<16384x128xf32, #tpu.memory_space<hbm>> -> memref<128x128xf32, #tpu.memory_space<hbm>>
    %dma_wait3A_1249 = arith.constant 0 : i32
    %dma_wait3A_1250 = tpu.memref_slice %arg5[%add3A_1189, %dma_wait3A_1249] : memref<16384x128xf32, #tpu.memory_space<hbm>> -> memref<128x128xf32, #tpu.memory_space<hbm>>
    %dma_wait3A_1251 = arith.constant 0 : i32
    %dma_wait3A_1252 = arith.constant 0 : i32
    %dma_wait3A_1253 = tpu.memref_slice %arg9[%dma_wait3A_1242, %dma_wait3A_1251, %dma_wait3A_1252] : memref<2x128x128xf32, #tpu.memory_space<vmem>> -> memref<1x128x128xf32, #tpu.memory_space<vmem>>
    %dma_wait3A_1254 = tpu.memref_squeeze %dma_wait3A_1253 : memref<1x128x128xf32, #tpu.memory_space<vmem>> -> memref<128x128xf32, #tpu.memory_space<vmem>>
    tpu.wait_dma2 semaphore(%arg12 : memref<!tpu.dma_semaphore, #tpu.memory_space<semaphore_mem>>) src(%dma_wait3A_1254 : memref<128x128xf32, #tpu.memory_space<vmem>>) dst(%dma_wait3A_1250 : memref<128x128xf32, #tpu.memory_space<hbm>>)
    %dma_wait3A_1255 = arith.constant 1 : i32
    %dma_wait3A_1256 = arith.constant 0 : i32
    %dma_wait3A_1257 = arith.constant 0 : i32
    %dma_wait3A_1258 = tpu.memref_slice %arg10[%dma_wait3A_1255, %dma_wait3A_1256, %dma_wait3A_1257] : memref<2x128x128xf32, #tpu.memory_space<vmem>> -> memref<1x128x128xf32, #tpu.memory_space<vmem>>
    %dma_wait3A_1259 = tpu.memref_squeeze %dma_wait3A_1258 : memref<1x128x128xf32, #tpu.memory_space<vmem>> -> memref<128x128xf32, #tpu.memory_space<vmem>>
    %dma_wait3A_1260 = arith.constant 0 : i32
    %dma_wait3A_1261 = tpu.memref_slice %arg6[%add3A_1189, %dma_wait3A_1260] : memref<16384x128xf32, #tpu.memory_space<hbm>> -> memref<128x128xf32, #tpu.memory_space<hbm>>
    %dma_wait3A_1262 = arith.constant 0 : i32
    %dma_wait3A_1263 = tpu.memref_slice %arg6[%add3A_1189, %dma_wait3A_1262] : memref<16384x128xf32, #tpu.memory_space<hbm>> -> memref<128x128xf32, #tpu.memory_space<hbm>>
    %dma_wait3A_1264 = arith.constant 0 : i32
    %dma_wait3A_1265 = arith.constant 0 : i32
    %dma_wait3A_1266 = tpu.memref_slice %arg10[%dma_wait3A_1255, %dma_wait3A_1264, %dma_wait3A_1265] : memref<2x128x128xf32, #tpu.memory_space<vmem>> -> memref<1x128x128xf32, #tpu.memory_space<vmem>>
    %dma_wait3A_1267 = tpu.memref_squeeze %dma_wait3A_1266 : memref<1x128x128xf32, #tpu.memory_space<vmem>> -> memref<128x128xf32, #tpu.memory_space<vmem>>
    tpu.wait_dma2 semaphore(%arg12 : memref<!tpu.dma_semaphore, #tpu.memory_space<semaphore_mem>>) src(%dma_wait3A_1267 : memref<128x128xf32, #tpu.memory_space<vmem>>) dst(%dma_wait3A_1263 : memref<128x128xf32, #tpu.memory_space<hbm>>)
    return
  }
}

module attributes {stable_mosaic.version = 14 : i64} {
  func.func @body(%arg0: i32, %arg1: memref<64x8192xf32, #tpu.memory_space<vmem>>, %arg2: memref<64x8192xf32, #tpu.memory_space<vmem>>, %arg3: memref<8192x128xf32, #tpu.memory_space<vmem>>) attributes {dimension_semantics = [#tpu.dimension_semantics<arbitrary>], iteration_bounds = array<i64: 62>, scalar_prefetch = 0 : i64, scratch_operands = 0 : i64, tpu.core_type = #tpu.core_type<tc>, window_params = [{transform_indices = @transform_0, window_bounds = array<i64: 64, 8192>}, {transform_indices = @transform_1, window_bounds = array<i64: 64, 8192>}, {transform_indices = @transform_2, window_bounds = array<i64: 8192, 128>}]} {
    %get3A = arith.constant 0 : index
    %get3A_0 = arith.constant 0 : index
    %get3A_1 = vector.load %arg1[%get3A, %get3A_0] : memref<64x8192xf32, #tpu.memory_space<vmem>>, vector<64x8192xf32>
    %transpose3A = tpu.transpose %get3A_1, [1, 0] : vector<64x8192xf32> -> vector<8192x64xf32>
    %swap3A = arith.constant 0 : index
    %swap3A_2 = arith.constant 0 : index
    %swap3A_3 = vector.load %arg3[%swap3A, %swap3A_2] : memref<8192x128xf32, #tpu.memory_space<vmem>>, vector<8192x64xf32>
    tpu.vector_store %arg3[%swap3A, %swap3A_2], %transpose3A {strides = array<i32>} : memref<8192x128xf32, #tpu.memory_space<vmem>>, vector<8192x64xf32>,
    %get3A_4 = arith.constant 0 : index
    %get3A_5 = arith.constant 0 : index
    %get3A_6 = vector.load %arg2[%get3A_4, %get3A_5] : memref<64x8192xf32, #tpu.memory_space<vmem>>, vector<64x8192xf32>
    %transpose3A_7 = tpu.transpose %get3A_6, [1, 0] : vector<64x8192xf32> -> vector<8192x64xf32>
    %swap3A_8 = arith.constant 0 : index
    %swap3A_9 = arith.constant 64 : index
    %swap3A_10 = vector.load %arg3[%swap3A_8, %swap3A_9] : memref<8192x128xf32, #tpu.memory_space<vmem>>, vector<8192x64xf32>
    tpu.vector_store %arg3[%swap3A_8, %swap3A_9], %transpose3A_7 {strides = array<i32>} : memref<8192x128xf32, #tpu.memory_space<vmem>>, vector<8192x64xf32>,
    return
  }
  func.func @transform_0(%arg0: i32) -> (i32, i32) {
    %c0_i32 = arith.constant 0 : i32
    %c0_i32_0 = arith.constant 0 : i32
    return %c0_i32, %arg0 : i32, i32
  }
  func.func @transform_1(%arg0: i32) -> (i32, i32) {
    %add3A = arith.constant 62 : i32
    %add3A_0 = arith.addi %arg0, %add3A : i32
    %min3A = arith.constant 122 : i32
    %min3A_1 = arith.minsi %add3A_0, %min3A : i32
    %c0_i32 = arith.constant 0 : i32
    %c0_i32_2 = arith.constant 0 : i32
    return %c0_i32, %min3A_1 : i32, i32
  }
  func.func @transform_2(%arg0: i32) -> (i32, i32) {
    %c0_i32 = arith.constant 0 : i32
    %c0_i32_0 = arith.constant 0 : i32
    return %arg0, %c0_i32 : i32, i32
  }
}

module attributes {stable_mosaic.version = 14 : i64} {
  func.func @body(%arg0: i32, %arg1: memref<2048x1xf32, #tpu.memory_space<vmem>>, %arg2: memref<2048x1xf32, #tpu.memory_space<vmem>>, %arg3: memref<2048x128xf32, #tpu.memory_space<vmem>>, %arg4: memref<2048x128xf32, #tpu.memory_space<vmem>>, %arg5: memref<1x2048xf32, #tpu.memory_space<vmem>>, %arg6: memref<64x2048xf32, #tpu.memory_space<vmem>>, %arg7: memref<64x2048xf32, #tpu.memory_space<vmem>>) attributes {dimension_semantics = [#tpu.dimension_semantics<arbitrary>], iteration_bounds = array<i64: 8>, scalar_prefetch = 0 : i64, scratch_operands = 0 : i64, tpu.core_type = #tpu.core_type<tc>, window_params = [{transform_indices = @transform_0, window_bounds = array<i64: 2048, 1>}, {transform_indices = @transform_1, window_bounds = array<i64: 2048, 1>}, {transform_indices = @transform_2, window_bounds = array<i64: 2048, 128>}, {transform_indices = @transform_3, window_bounds = array<i64: 2048, 128>}, {transform_indices = @transform_4, window_bounds = array<i64: 1, 2048>}, {transform_indices = @transform_5, window_bounds = array<i64: 64, 2048>}, {transform_indices = @transform_6, window_bounds = array<i64: 64, 2048>}]} {
    %get3A = arith.constant 0 : index
    %get3A_0 = arith.constant 0 : index
    %get3A_1 = vector.load %arg3[%get3A, %get3A_0] : memref<2048x128xf32, #tpu.memory_space<vmem>>, vector<2048x64xf32>
    %get3A_2 = arith.constant 0 : index
    %get3A_3 = arith.constant 64 : index
    %get3A_4 = vector.load %arg3[%get3A_2, %get3A_3] : memref<2048x128xf32, #tpu.memory_space<vmem>>, vector<2048x64xf32>
    %get3A_5 = arith.constant 0 : index
    %get3A_6 = arith.constant 0 : index
    %get3A_7 = vector.load %arg4[%get3A_5, %get3A_6] : memref<2048x128xf32, #tpu.memory_space<vmem>>, vector<2048x64xf32>
    %get3A_8 = arith.constant 0 : index
    %get3A_9 = arith.constant 64 : index
    %get3A_10 = vector.load %arg4[%get3A_8, %get3A_9] : memref<2048x128xf32, #tpu.memory_space<vmem>>, vector<2048x64xf32>
    %get3A_11 = arith.constant 0 : index
    %get3A_12 = arith.constant 0 : index
    %get3A_13 = vector.load %arg1[%get3A_11, %get3A_12] : memref<2048x1xf32, #tpu.memory_space<vmem>>, vector<2048x1xf32>
    %sub3A = arith.subf %get3A_4, %get3A_1 : vector<2048x64xf32>
    %mul3A = vector.broadcast %get3A_13 : vector<2048x1xf32> to vector<2048x64xf32>
    %mul3A_14 = arith.mulf %mul3A, %sub3A : vector<2048x64xf32>
    %add3A = arith.addf %get3A_1, %mul3A_14 : vector<2048x64xf32>
    %get3A_15 = arith.constant 0 : index
    %get3A_16 = arith.constant 0 : index
    %get3A_17 = vector.load %arg2[%get3A_15, %get3A_16] : memref<2048x1xf32, #tpu.memory_space<vmem>>, vector<2048x1xf32>
    %sub3A_18 = arith.subf %get3A_10, %get3A_7 : vector<2048x64xf32>
    %mul3A_19 = vector.broadcast %get3A_17 : vector<2048x1xf32> to vector<2048x64xf32>
    %mul3A_20 = arith.mulf %mul3A_19, %sub3A_18 : vector<2048x64xf32>
    %add3A_21 = arith.addf %get3A_7, %mul3A_20 : vector<2048x64xf32>
    %slice3A = vector.extract_strided_slice %add3A {offsets = [0, 0], sizes = [2048, 32], strides = [1, 1]} : vector<2048x64xf32> to vector<2048x32xf32>
    %slice3A_22 = vector.extract_strided_slice %add3A {offsets = [0, 32], sizes = [2048, 32], strides = [1, 1]} : vector<2048x64xf32> to vector<2048x32xf32>
    %slice3A_23 = vector.extract_strided_slice %add3A_21 {offsets = [0, 0], sizes = [2048, 32], strides = [1, 1]} : vector<2048x64xf32> to vector<2048x32xf32>
    %slice3A_24 = vector.extract_strided_slice %add3A_21 {offsets = [0, 32], sizes = [2048, 32], strides = [1, 1]} : vector<2048x64xf32> to vector<2048x32xf32>
    %min3A = arith.minimumf %slice3A_22, %slice3A_24 : vector<2048x32xf32>
    %max3A = arith.maximumf %slice3A, %slice3A_23 : vector<2048x32xf32>
    %sub3A_25 = arith.subf %min3A, %max3A : vector<2048x32xf32>
    %max3A_26 = arith.constant 0.000000e+00 : f32
    %max3A_27 = vector.broadcast %max3A_26 : f32 to vector<2048x32xf32>
    %max3A_28 = arith.maximumf %sub3A_25, %max3A_27 : vector<2048x32xf32>
    %sub3A_29 = arith.subf %slice3A_22, %slice3A : vector<2048x32xf32>
    %max3A_30 = arith.constant 0.000000e+00 : f32
    %max3A_31 = vector.broadcast %max3A_30 : f32 to vector<2048x32xf32>
    %max3A_32 = arith.maximumf %sub3A_29, %max3A_31 : vector<2048x32xf32>
    %div3A = arith.divf %max3A_28, %max3A_32 : vector<2048x32xf32>
    %slice3A_33 = vector.extract_strided_slice %div3A {offsets = [0, 0], sizes = [2048, 16], strides = [1, 1]} : vector<2048x32xf32> to vector<2048x16xf32>
    %slice3A_34 = vector.extract_strided_slice %div3A {offsets = [0, 16], sizes = [2048, 16], strides = [1, 1]} : vector<2048x32xf32> to vector<2048x16xf32>
    %mul3A_35 = arith.mulf %slice3A_33, %slice3A_34 : vector<2048x16xf32>
    %slice3A_36 = vector.extract_strided_slice %mul3A_35 {offsets = [0, 0], sizes = [2048, 8], strides = [1, 1]} : vector<2048x16xf32> to vector<2048x8xf32>
    %slice3A_37 = vector.extract_strided_slice %mul3A_35 {offsets = [0, 8], sizes = [2048, 8], strides = [1, 1]} : vector<2048x16xf32> to vector<2048x8xf32>
    %mul3A_38 = arith.mulf %slice3A_36, %slice3A_37 : vector<2048x8xf32>
    %slice3A_39 = vector.extract_strided_slice %mul3A_38 {offsets = [0, 0], sizes = [2048, 4], strides = [1, 1]} : vector<2048x8xf32> to vector<2048x4xf32>
    %slice3A_40 = vector.extract_strided_slice %mul3A_38 {offsets = [0, 4], sizes = [2048, 4], strides = [1, 1]} : vector<2048x8xf32> to vector<2048x4xf32>
    %mul3A_41 = arith.mulf %slice3A_39, %slice3A_40 : vector<2048x4xf32>
    %slice3A_42 = vector.extract_strided_slice %mul3A_41 {offsets = [0, 0], sizes = [2048, 2], strides = [1, 1]} : vector<2048x4xf32> to vector<2048x2xf32>
    %slice3A_43 = vector.extract_strided_slice %mul3A_41 {offsets = [0, 2], sizes = [2048, 2], strides = [1, 1]} : vector<2048x4xf32> to vector<2048x2xf32>
    %mul3A_44 = arith.mulf %slice3A_42, %slice3A_43 : vector<2048x2xf32>
    %slice3A_45 = vector.extract_strided_slice %mul3A_44 {offsets = [0, 0], sizes = [2048, 1], strides = [1, 1]} : vector<2048x2xf32> to vector<2048x1xf32>
    %slice3A_46 = vector.extract_strided_slice %mul3A_44 {offsets = [0, 1], sizes = [2048, 1], strides = [1, 1]} : vector<2048x2xf32> to vector<2048x1xf32>
    %mul3A_47 = arith.mulf %slice3A_45, %slice3A_46 : vector<2048x1xf32>
    %transpose3A = tpu.transpose %mul3A_47, [1, 0] : vector<2048x1xf32> -> vector<1x2048xf32>
    %swap3A = arith.constant 0 : index
    %swap3A_48 = arith.constant 0 : index
    %swap3A_49 = vector.load %arg5[%swap3A, %swap3A_48] : memref<1x2048xf32, #tpu.memory_space<vmem>>, vector<1x2048xf32>
    tpu.vector_store %arg5[%swap3A, %swap3A_48], %transpose3A {strides = array<i32>} : memref<1x2048xf32, #tpu.memory_space<vmem>>, vector<1x2048xf32>,
    %transpose3A_50 = tpu.transpose %add3A, [1, 0] : vector<2048x64xf32> -> vector<64x2048xf32>
    %swap3A_51 = arith.constant 0 : index
    %swap3A_52 = arith.constant 0 : index
    %swap3A_53 = vector.load %arg6[%swap3A_51, %swap3A_52] : memref<64x2048xf32, #tpu.memory_space<vmem>>, vector<64x2048xf32>
    tpu.vector_store %arg6[%swap3A_51, %swap3A_52], %transpose3A_50 {strides = array<i32>} : memref<64x2048xf32, #tpu.memory_space<vmem>>, vector<64x2048xf32>,
    %transpose3A_54 = tpu.transpose %add3A_21, [1, 0] : vector<2048x64xf32> -> vector<64x2048xf32>
    %swap3A_55 = arith.constant 0 : index
    %swap3A_56 = arith.constant 0 : index
    %swap3A_57 = vector.load %arg7[%swap3A_55, %swap3A_56] : memref<64x2048xf32, #tpu.memory_space<vmem>>, vector<64x2048xf32>
    tpu.vector_store %arg7[%swap3A_55, %swap3A_56], %transpose3A_54 {strides = array<i32>} : memref<64x2048xf32, #tpu.memory_space<vmem>>, vector<64x2048xf32>,
    return
  }
  func.func @transform_0(%arg0: i32) -> (i32, i32) {
    %c0_i32 = arith.constant 0 : i32
    %c0_i32_0 = arith.constant 0 : i32
    return %arg0, %c0_i32 : i32, i32
  }
  func.func @transform_1(%arg0: i32) -> (i32, i32) {
    %c0_i32 = arith.constant 0 : i32
    %c0_i32_0 = arith.constant 0 : i32
    return %arg0, %c0_i32 : i32, i32
  }
  func.func @transform_2(%arg0: i32) -> (i32, i32) {
    %c0_i32 = arith.constant 0 : i32
    %c0_i32_0 = arith.constant 0 : i32
    return %arg0, %c0_i32 : i32, i32
  }
  func.func @transform_3(%arg0: i32) -> (i32, i32) {
    %c0_i32 = arith.constant 0 : i32
    %c0_i32_0 = arith.constant 0 : i32
    return %arg0, %c0_i32 : i32, i32
  }
  func.func @transform_4(%arg0: i32) -> (i32, i32) {
    %c0_i32 = arith.constant 0 : i32
    %c0_i32_0 = arith.constant 0 : i32
    return %c0_i32, %arg0 : i32, i32
  }
  func.func @transform_5(%arg0: i32) -> (i32, i32) {
    %c0_i32 = arith.constant 0 : i32
    %c0_i32_0 = arith.constant 0 : i32
    return %c0_i32, %arg0 : i32, i32
  }
  func.func @transform_6(%arg0: i32) -> (i32, i32) {
    %c0_i32 = arith.constant 0 : i32
    %c0_i32_0 = arith.constant 0 : i32
    return %c0_i32, %arg0 : i32, i32
  }
}

</mosaic_0001>

<sc_bundles>
// kernel: kernel.5.cloned.1.call-start
scs
__scs_entry_jumppad:
0x0: {  	(pc) =	sbr.rel $0x88, $3  }
0x1: {  	(tag) =	ssettag $0x0;
	lr =	simm.s32 $0x1  }
0x2: {  	[smem:$0x3F9F] =	sst lr;
	_ =	strace $0xD0000000  }
0x3: {  	_ = 	snop  }
0x4: {  	_ = 	snop  }
0x5: {  	_ = 	snop  }
0x6: {  	_ = 	snop  }
0x7: {  	_ = 	snop  }
__scs_overlays_trampoline_lowered:
0x8: {  	[smem:$0x3FAE] =	sst s0  }
0x9: {  	[smem:$0x3FAF] =	sst s1  }
0xa: {  	[smem:$0x3FB0] =	sst s2  }
0xb: {  	[smem:$0x3FB1] =	sst s3  }
0xc: {  	[smem:$0x3FB2] =	sst s4  }
0xd: {  	[smem:$0x3FB3] =	sst s5  }
0xe: {  	[smem:$0x3FB4] =	sst s6  }
0xf: {  	[smem:$0x3FB5] =	sst s7  }
0x10: {  	[smem:$0x3FB6] =	sst s8  }
0x11: {  	[smem:$0x3FB7] =	sst s9;
	s0 =	simm.s32 @!p0 $0x0  }
0x12: {  	s1 =	sld [smem:$0x3F9D];
	s0 =	simm.s32 @p0 $0x1  }
0x13: {  	[smem:$0x3FB8] =	sst s0;
	s0 =	simm.s32 @!p1 $0x0  }
0x14: {  	s2 =	sld [smem:$0x3F9C];
	s0 =	simm.s32 @p1 $0x1  }
0x15: {  	[smem:$0x3FB9] =	sst s0;
	s0 =	simm.s32 @!p2 $0x0  }
0x16: {  	s3 =	sld [smem:$0x3FDB];
	s0 =	simm.s32 @p2 $0x1  }
0x17: {  	s4 =	simm.s32 $0x1BF5;
	[smem:$0x3FBB] =	sst s0  }
0x18: {  	s0 =	sld [smem:$0x3F9E];
	_ =	swait.ge [sflag:s4], $0x0  }
0x19: {  	s7 =	sld [smem:$0x3F9F]  }
0x1a: {  	s8 =	sadd.s32 $0xFFFFE003, lr  }
0x1b: {  	s9 =	sadd.s32 $0xFFFFFEF7, lr;
	s5 =	simm.s32 $0xFFFFFFFF;
	p2 =	slt.u32 s8, $0xFFFFF086  }
0x1c: {  	p1 =	slt.u32 s9, $0xF7A;
	s5 =	simm.s32 @!p2 $0x0  }
0x1d: {  	s5 =	simm.s32 @p1 $0x1;
	p0 =	seq.s32 s7, s2  }
0x1e: {  	s7 =	smul.u32 @!p0 $0xF7A, s2;
	p2 =	seq.s32 @!p0 s5, $0x0  }
0x1f: {  	s9 =	smul.u32 $0xF7A, s1;
	s8 =	simm.s32 @!p0 $0x1BF5;
	p2 =	por !p2, p0  }
0x20: {  	[sflag:s8] =	ssyncset.s32 @!p0 $0xFFFFF086;
	s6 =	sadd.s32 @!p0 s3, s7;
	s7 =	simm.s32 @!p0 $0x108  }
0x21: {  	s3 =	sadd.s32 s3, s9;
	s6 =	sadd.s32 @!p0 $0x88, s6;
	s7 =	simm.s32 @p2 $0x1082  }
0x22: {  	[simem:s7], [sflag:s8] =	dma.local @!p0 [hbm:s6], $0xF7A  }
0x23: {  	s9 =	sor.u32 $0xD0000000, s2;
	s6 =	simm.s32 $0x108;
	_ =	swait.ge @!p0 [sflag:s8], $0x0  }
0x24: {  	s3 =	sadd.s32 $0x88, s3;
	s6 =	simm.s32 @!p1 $0x1082;
	[sflag:s4] =	ssyncset.s32 $0xFFFFF086  }
0x25: {  	[simem:s6], [sflag:s4] =	dma.local [hbm:s3], $0xF7A  }
0x26: {  	[smem:$0x3F9F] =	sst s1;
	(tag) =	ssettag s2;
	_ =	strace s9  }
0x27: {  	s1 =	sld [smem:$0x3FAF]  }
0x28: {  	s2 =	sld [smem:$0x3FB0]  }
0x29: {  	s4 =	sld [smem:$0x3FB2]  }
0x2a: {  	p0 =	seq.s32 s5, $0x0;
	s5 =	sld [smem:$0x3FB3]  }
0x2b: {  	s6 =	sld [smem:$0x3FB4]  }
0x2c: {  	s7 =	sld [smem:$0x3FB5]  }
0x2d: {  	s3 =	simm.s32 $0x108;
	s8 =	sld [smem:$0x3FB6]  }
0x2e: {  	s3 =	simm.s32 @!p0 $0x1082;
	s9 =	sld [smem:$0x3FB7]  }
0x2f: {  	lr =	sadd.s32 s0, s3;
	s0 =	sld [smem:$0x3FAE]  }
0x30: {  	s3 =	sld [smem:$0x3FB1]  }
0x31: {  	[smem:$0x3FBA] =	sst s10  }
0x32: {  	s10 =	sld [smem:$0x3FB8];
	_ =	sdelay $0x3  }
0x33: {  	p0 =	seq.s32 s10, $0x1;
	s10 =	sld [smem:$0x3FBA];
	_ =	sdelay $0x3  }
0x34: {  	[smem:$0x3FBA] =	sst s10  }
0x35: {  	s10 =	sld [smem:$0x3FB9];
	_ =	sdelay $0x3  }
0x36: {  	p1 =	seq.s32 s10, $0x1;
	s10 =	sld [smem:$0x3FBA];
	_ =	sdelay $0x3  }
0x37: {  	[smem:$0x3FBA] =	sst s10  }
0x38: {  	s10 =	sld [smem:$0x3FBB]  }
0x39: {  	_ = 	snop;
	(pc) =	sbr.ind lr, $3  }
0x3a: {  	_ = 	snop  }
0x3b: {  	_ = 	snop  }
0x3c: {  	p2 =	seq.s32 s10, $0x1;
	s10 =	sld [smem:$0x3FBA]  }
0x3d: {  	_ =	shalt  }
0x3e: {  	_ =	shalt  }
0x3f: {  	_ =	shalt  }
0x40: {  	_ =	shalt  }
0x41: {  	_ =	shalt  }
0x42: {  	_ =	shalt  }
0x43: {  	_ =	shalt  }
0x44: {  	_ =	shalt  }
0x45: {  	_ =	shalt  }
0x46: {  	_ =	shalt  }
0x47: {  	_ =	shalt  }
0x48: {  	_ =	shalt  }
0x49: {  	_ =	shalt  }
0x4a: {  	_ =	shalt  }
0x4b: {  	_ =	shalt  }
0x4c: {  	_ =	shalt  }
0x4d: {  	_ =	shalt  }
0x4e: {  	_ =	shalt  }
0x4f: {  	_ =	shalt  }
0x50: {  	_ =	shalt  }
0x51: {  	_ =	shalt  }
0x52: {  	_ =	shalt  }
0x53: {  	_ =	shalt  }
0x54: {  	_ =	shalt  }
0x55: {  	_ =	shalt  }
0x56: {  	_ =	shalt  }
0x57: {  	_ =	shalt  }
0x58: {  	_ =	shalt  }
0x59: {  	_ =	shalt  }
0x5a: {  	_ =	shalt  }
0x5b: {  	_ =	shalt  }
0x5c: {  	_ =	shalt  }
0x5d: {  	_ =	shalt  }
0x5e: {  	_ =	shalt  }
0x5f: {  	_ =	shalt  }
0x60: {  	_ =	shalt  }
0x61: {  	_ =	shalt  }
0x62: {  	_ =	shalt  }
0x63: {  	_ =	shalt  }
0x64: {  	_ =	shalt  }
0x65: {  	_ =	shalt  }
0x66: {  	_ =	shalt  }
0x67: {  	_ =	shalt  }
0x68: {  	_ =	shalt  }
0x69: {  	_ =	shalt  }
0x6a: {  	_ =	shalt  }
0x6b: {  	_ =	shalt  }
0x6c: {  	_ =	shalt  }
0x6d: {  	_ =	shalt  }
0x6e: {  	_ =	shalt  }
0x6f: {  	_ =	shalt  }
0x70: {  	_ =	shalt  }
0x71: {  	_ =	shalt  }
0x72: {  	_ =	shalt  }
0x73: {  	_ =	shalt  }
0x74: {  	_ =	shalt  }
0x75: {  	_ =	shalt  }
0x76: {  	_ =	shalt  }
0x77: {  	_ =	shalt  }
0x78: {  	_ =	shalt  }
0x79: {  	_ =	shalt  }
0x7a: {  	_ =	shalt  }
0x7b: {  	_ =	shalt  }
0x7c: {  	_ =	shalt  }
0x7d: {  	_ =	shalt  }
0x7e: {  	_ =	shalt  }
0x7f: {  	_ =	shalt  }
0x80: {  	_ =	shalt  }
0x81: {  	_ =	shalt  }
0x82: {  	_ =	shalt  }
0x83: {  	_ =	shalt  }
0x84: {  	_ =	shalt  }
0x85: {  	_ =	shalt  }
0x86: {  	_ =	shalt  }
0x87: {  	_ =	shalt  }
.Lfunc_end0:
.L_simem_size_0:
called_computation_lowered:
.L_overlay_start_0:
0x88: {  	s2 =	sld [smem:$0x3FD9]  }
0x89: {  	s3 =	sld [smem:$0x3FFE];
	_ =	sdelay $0x1  }
0x8a: {  	s1 =	srdreg.scid  }
0x8b: {  	s0 =	sand.u32 $0x1, s1  }
0x8c: {  	s14 =	sshll.u32 s0, $0xA;
	s2 =	sadd.s32 s3, s2  }
0x8d: {  	s2 =	sadd.s32 s2, s14  }
0x8e: {  	[smem:$0x3FC6] =	sst s2  }
0x8f: {  	_ = 	snop  }
0x90: {  	s2 =	sld [smem:$0x3FD0];
	_ =	sdelay $0x2  }
0x91: {  	s15 =	simm.s32 $0xA;
	s4 =	simm.s32 $0x10  }
0x92: {  	[smem:s4], [sflag:s15] =	dma.local [hbm:s2], $0x1  }
0x93: {  	_ =	swait.eq [sflag:s15], $0x1  }
0x94: {  	[sflag:s15] =	ssyncset.done $0x0  }
0x95: {  	s16 =	sld [smem:$0x10];
	[sflag:s15] =	ssyncadd.s32 $0xFFFFFFFF  }
0x96: {  	s17 =	sld [smem:$0x12];
	(tm) =	ssettm $0x1  }
0x97: {  	s18 =	sld [smem:$0x3FFB];
	_ =	sdelay $0x3  }
0x98: {  	_ =	strace s18  }
0x99: {  	s4 =	sld [smem:$0x3FFC];
	_ =	sdelay $0x3  }
0x9a: {  	_ =	strace s4  }
0x9b: {  	s4 =	sld [smem:$0x3FFD];
	_ =	sdelay $0x3  }
0x9c: {  	_ =	strace s4  }
0x9d: {  	_ =	strace $0x8FFFFFFF  }
0x9e: {  	s19 =	sld [smem:$0x3FDB];
	_ =	sdelay $0x1  }
0x9f: {  	s5 =	simm.s32 $_scs_section_size  }
0xa0: {  	s6 =	simm.s32 $_size__tile_overlayer_lowered;
	s7 =	simm.s32 $_tile_overlayer_lowered  }
0xa1: {  	s22 =	simm.s32 $0x1BFF;
	s21 =	sshll.u32 s7, $0x1;
	s4 =	sadd.s32 s5, s19  }
0xa2: {  	s8 =	simm.s32 $0x0;
	s20 =	sshll.u32 s6, $0x1;
	s6 =	sadd.s32 s21, s4  }
0xa3: {  	[timem:s8], [sflag:s22] =	dma.local [hbm:s6], s20  }
0xa4: {  	_ =	swait.ge [sflag:s22], s20  }
0xa5: {  	s5 =	ssub.s32 $0x0, s20;
	[sflag:s22] =	ssyncset.done $0x0  }
0xa6: {  	[sflag:s22] =	ssyncadd.s32 s5;
	_ =	sdelay $0x1  }
0xa7: {  	s23 =	simm.s32 $0x1B8B  }
0xa8: {  	_ =	swait.ge [sflag:s23], $0x1  }
0xa9: {  	[sflag:s23] =	ssyncset.done $0x0  }
0xaa: {  	s25 =	simm.s32 $0x1B8E;
	s24 =	sld [smem:$0x3FFE];
	[sflag:s23] =	ssyncadd.s32 $0xFFFFFFFF  }
0xab: {  	s26 =	simm.s32 $execute0_lowered;
	[smem:$0x3FD2] =	sst s25  }
0xac: {  	s6 =	sshll.u32 s26, $0x1;
	_ =	strace $0x80000046;
	[dreg:$0x1] =	wrdreg $0xFFFFFFFF  }
0xad: {  	s28 =	simm.s32 $_size_execute0_lowered;
	s4 =	sadd.s32 s4, s6;
	[dreg:$0x0] =	wrdreg $0x0  }
0xae: {  	s6 =	sshll.u32 s28, $0x1;
	[dreg:$0x2] =	wrdreg s4  }
0xaf: {  	[dreg:$0x3] =	wrdreg s6  }
0xb0: {  	[dreg:$0x4] =	wrdreg $0xC0  }
0xb1: {  	_ =	task [dreg:s8], $0x5FFFF  }
0xb2: {  	[dreg:$0x1] =	wrdreg $0xFFFFFFFF  }
0xb3: {  	[dreg:$0x0] =	wrdreg $0x60  }
0xb4: {  	[dreg:$0x2] =	wrdreg s17  }
0xb5: {  	[dreg:$0x3] =	wrdreg s16  }
0xb6: {  	[dreg:$0x4] =	wrdreg s24  }
0xb7: {  	[dreg:$0x5] =	wrdreg $0x9  }
0xb8: {  	_ =	task.clear_ibuf [dreg:s8], $0x6FFFF;
	_ =	strace $0x90000046  }
0xb9: {  	s29 =	simm.s32 $0x9;
	_ =	strace $0x80000048  }
0xba: {  	_ =	swait.ge [sflag:s29], $0x1  }
0xbb: {  	[sflag:s29] =	ssyncadd.s32 $0xFFFFFFFF  }
0xbc: {  	_ =	strace $0x90000048  }
0xbd: {  	_ =	sfence  }
0xbe: {  	s30 =	sld [smem:$0x0];
	_ =	sdelay $0x2  }
0xbf: {  	s31 =	sshll.u32 s1, $0xD;
	s1 =	sshrl.u32 s1, $0x2  }
0xc0: {  	s3 =	sand.u32 $0x4000, s31;
	s1 =	sadd.s32 s1, s30  }
0xc1: {  	s0 =	sor.u32 s3, s0;
	s1 =	sshll.u32 s1, $0x11  }
0xc2: {  	s0 =	sor.u32 s1, s0  }
0xc3: {  	s0 =	sadd.s32 $0x8F2B, s0  }
0xc4: {  	[sflag:s0] =	ssyncadd.remote.s32 $0x1  }
0xc5: {  	_ =	sfence.sel $0xFFFF  }
0xc6: {  	[dreg:$0x0] =	wrdreg $0xFFFFFFFF;
	(pc) =	sbr.abs _section_cstart, $3  }
0xc7: {  	[dreg:$0x1] =	wrdreg $0xFFFFFFFF  }
0xc8: {  	_ =	task.clear_ibuf [dreg:s8], $0x2FFFF;
	_ =	strace $0x9FFFFFFF  }
0xc9: {  	(tm) =	ssettm $0x7FFFFFFF  }
tec
execute0_lowered:
.L_overlay_start_1:
0x0: {  	(tag) =	ssettag $0x1  }
0x1: {  	s4 =	rddreg [dreg:$0x0]  }
0x2: {  	s5 =	rddreg [dreg:$0x1]  }
0x3: {  	s6 =	rddreg [dreg:$0x2]  }
0x4: {  	s0 =	rddreg [dreg:$0x3]  }
0x5: {  	s2 =	simm.s32 $0x0;
	s3 =	srdreg.scid;
	s1 =	stileid.u32  }
0x6: {  	s17 =	simm.s32 $0x80;
	s18 =	simm.s32 $0x400;
	s19 =	simm.s32 $0x8400  }
0x7: {  	s20 =	simm.s32 $0x4400;
	s21 =	simm.s32 $0x280;
	s22 =	simm.s32 $0xC400  }
0x8: {  	s23 =	simm.s32 $0x1;
	s24 =	simm.s32 $0x2;
	s25 =	simm.s32 $0x100  }
0x9: {  	s26 =	simm.s32 $0x300;
	s28 =	simm.s32 $0x180;
	s29 =	simm.s32 $0x380  }
0xa: {  	[smem:$0x7FF] =	sst s2;
	s7 =	sand.u32 $0x1, s3;
	s3 =	sadd.s32 $0x1000, s6  }
0xb: {  	s8 =	sshll.u32 s1, $0xA;
	s12 =	sadd.s32 $0x7C1000, s6;
	s9 =	sshll.u32 s7, $0x9  }
0xc: {  	s13 =	sadd.s32 $0x801000, s6;
	s7 =	ssub.s32 $0x2, s7;
	s8 =	sor.u32 s9, s8  }
0xd: {  	_ =	strace $0x80000047;
	s30 =	sshrl.u32 s7, $0x1;
	s9 =	sshrl.u32 s8, $0x3  }
0xe: {  	s14 =	ssub.s32 s7, s30;
	s11 =	sshll.u32 s8, $0x4;
	s4 =	sadd.s32 s4, s9  }
0xf: {  	s5 =	sadd.s32 s5, s9;
	s6 =	sadd.s32 s12, s11;
	s31 =	sor.u32 $0x800, s11  }
0x10: {  	s7 =	sadd.s32 s13, s11;
	s15 =	sor.u32 $0x1000, s11;
	s16 =	sor.u32 $0x1800, s11  }
0x11: {  	s14 =	smax.u32 s14, $0x1;
	s8 =	sadd.s32 s12, s31;
	s9 =	sadd.s32 s13, s31  }
0x12: {  	s10 =	sadd.s32 s12, s15;
	s11 =	sadd.s32 s13, s15;
	s12 =	sadd.s32 s12, s16  }
0x13: {  	s13 =	sadd.s32 s13, s16;
	s15 =	simm.s32 $0x3;
	s16 =	simm.s32 $0x200  }
.LBB2_1:
0x14: {  	[tilespmem:s2], [sflag:$0x3] =	stream.linear.gather [hbm4b:s4+s2], $0x200, $0x38;
	[tilespmem:$0x10400] =	vst v63  }
0x15: {  	_ =	swait.ge [sflag:s15], $0x200  }
0x16: {  	[sflag:s15] =	ssyncset.done $0x0  }
0x17: {  	[sflag:s15] =	ssyncadd.s32 $0xFFFFFE00  }
0x18: {  	[tilespmem:s16], [sflag:$0x3] =	stream.linear.gather [hbm4b:s5+s2], $0x200, $0x38;
	[tilespmem:$0x10400] =	vst v63  }
0x19: {  	_ =	swait.ge [sflag:s15], $0x200  }
0x1a: {  	[sflag:s15] =	ssyncset.done $0x0  }
0x1b: {  	[sflag:s15] =	ssyncadd.s32 $0xFFFFFE00  }
0x1c: {  	v0 =	vld [tilespmem:$0x0]  }
0x1d: {  	v1 =	vld [tilespmem:$0x200]  }
0x1e: {  	v2 =	vld [tilespmem:$0x10]  }
0x1f: {  	v3 =	vld [tilespmem:$0x210]  }
0x20: {  	v4 =	vld [tilespmem:$0x20]  }
0x21: {  	v6 =	vld [tilespmem:$0x220];
	vm0 =	vgt.s32 v0, $0x7BFFF;
	v5 =	vadd.s32 $0xFFF84000, v0  }
0x22: {  	v7 =	vld [tilespmem:$0x30];
	vm13 =	vgt.s32 v1, $0x7BFFF;
	v47 =	vadd.s32 $0xFFF84000, v1;
	v0 =	vsel vm0, v5, v0  }
0x23: {  	v50 =	vld [tilespmem:$0x230];
	vm14 =	vgt.s32 v2, $0x7BFFF;
	v49 =	vadd.s32 $0xFFF84000, v2;
	v48 =	vsel vm13, v47, v1;
	[tilespmem:$0x0] =	vst v0  }
0x24: {  	v53 =	vld [tilespmem:$0x40];
	vm15 =	vgt.s32 v3, $0x7BFFF;
	v52 =	vadd.s32 $0xFFF84000, v3;
	v51 =	vsel vm14, v49, v2;
	[tilespmem:$0x200] =	vst v48  }
0x25: {  	v56 =	vld [tilespmem:$0x240];
	vm4 =	vgt.s32 v4, $0x7BFFF;
	v55 =	vadd.s32 $0xFFF84000, v4;
	v54 =	vsel vm15, v52, v3;
	[tilespmem:$0x10] =	vst v51  }
0x26: {  	v59 =	vld [tilespmem:$0x50];
	vm5 =	vgt.s32 v6, $0x7BFFF;
	v58 =	vadd.s32 $0xFFF84000, v6;
	v57 =	vsel vm4, v55, v4;
	[tilespmem:$0x210] =	vst v54  }
0x27: {  	v62 =	vld [tilespmem:$0x250];
	vm6 =	vgt.s32 v7, $0x7BFFF;
	v61 =	vadd.s32 $0xFFF84000, v7;
	v60 =	vsel vm5, v58, v6;
	[tilespmem:$0x20] =	vst v57  }
0x28: {  	v10 =	vld [tilespmem:$0x60];
	vm7 =	vgt.s32 v50, $0x7BFFF;
	v9 =	vadd.s32 $0xFFF84000, v50;
	v63 =	vsel vm6, v61, v7;
	[tilespmem:$0x220] =	vst v60  }
0x29: {  	v13 =	vld [tilespmem:$0x260];
	vm8 =	vgt.s32 v53, $0x7BFFF;
	v12 =	vadd.s32 $0xFFF84000, v53;
	v11 =	vsel vm7, v9, v50;
	[tilespmem:$0x30] =	vst v63  }
0x2a: {  	v16 =	vld [tilespmem:$0x70];
	vm9 =	vgt.s32 v56, $0x7BFFF;
	v15 =	vadd.s32 $0xFFF84000, v56;
	v14 =	vsel vm8, v12, v53;
	[tilespmem:$0x230] =	vst v11  }
0x2b: {  	v19 =	vld [tilespmem:$0x270];
	vm10 =	vgt.s32 v59, $0x7BFFF;
	v18 =	vadd.s32 $0xFFF84000, v59;
	v17 =	vsel vm9, v15, v56;
	[tilespmem:$0x40] =	vst v14  }
0x2c: {  	v22 =	vld [tilespmem:$0x80];
	vm11 =	vgt.s32 v62, $0x7BFFF;
	v21 =	vadd.s32 $0xFFF84000, v62;
	v20 =	vsel vm10, v18, v59;
	[tilespmem:$0x240] =	vst v17  }
0x2d: {  	v25 =	vld [tilespmem:$0x280];
	vm12 =	vgt.s32 v10, $0x7BFFF;
	v24 =	vadd.s32 $0xFFF84000, v10;
	v23 =	vsel vm11, v21, v62;
	[tilespmem:$0x50] =	vst v20  }
0x2e: {  	v28 =	vld [tilespmem:$0x90];
	v27 =	vadd.s32 $0xFFF84000, v13;
	v26 =	vsel vm12, v24, v10;
	vm13 =	vgt.s32 v13, $0x7BFFF;
	[tilespmem:$0x250] =	vst v23  }
0x2f: {  	v31 =	vld [tilespmem:$0x290];
	v30 =	vadd.s32 $0xFFF84000, v16;
	vm14 =	vgt.s32 v16, $0x7BFFF;
	[tilespmem:$0x60] =	vst v26;
	v29 =	vsel vm13, v27, v13  }
0x30: {  	v34 =	vld [tilespmem:$0xA0];
	v33 =	vadd.s32 $0xFFF84000, v19;
	vm15 =	vgt.s32 v19, $0x7BFFF;
	v32 =	vsel vm14, v30, v16;
	[tilespmem:$0x260] =	vst v29  }
0x31: {  	v37 =	vld [tilespmem:$0x2A0];
	v36 =	vadd.s32 $0xFFF84000, v22;
	vm4 =	vgt.s32 v22, $0x7BFFF;
	v35 =	vsel vm15, v33, v19;
	[tilespmem:$0x70] =	vst v32  }
0x32: {  	v40 =	vld [tilespmem:$0xB0];
	v39 =	vadd.s32 $0xFFF84000, v25;
	vm5 =	vgt.s32 v25, $0x7BFFF;
	v38 =	vsel vm4, v36, v22;
	[tilespmem:$0x270] =	vst v35  }
0x33: {  	v43 =	vld [tilespmem:$0x2B0];
	v42 =	vadd.s32 $0xFFF84000, v28;
	vm6 =	vgt.s32 v28, $0x7BFFF;
	v41 =	vsel vm5, v39, v25;
	[tilespmem:$0x80] =	vst v38  }
0x34: {  	v46 =	vld [tilespmem:$0xC0];
	v45 =	vadd.s32 $0xFFF84000, v31;
	vm7 =	vgt.s32 v31, $0x7BFFF;
	v44 =	vsel vm6, v42, v28;
	[tilespmem:$0x280] =	vst v41  }
0x35: {  	vm8 =	vgt.s32 v34, $0x7BFFF;
	v49 =	vld [tilespmem:$0x2C0];
	v47 =	vsel vm7, v45, v31;
	v48 =	vadd.s32 $0xFFF84000, v34;
	[tilespmem:$0x90] =	vst v44  }
0x36: {  	vm9 =	vgt.s32 v37, $0x7BFFF;
	v52 =	vld [tilespmem:$0xD0];
	v51 =	vadd.s32 $0xFFF84000, v37;
	[tilespmem:$0x290] =	vst v47;
	v50 =	vsel vm8, v48, v34  }
0x37: {  	vm10 =	vgt.s32 v40, $0x7BFFF;
	v55 =	vld [tilespmem:$0x2D0];
	v54 =	vadd.s32 $0xFFF84000, v40;
	v53 =	vsel vm9, v51, v37;
	[tilespmem:$0xA0] =	vst v50  }
0x38: {  	vm11 =	vgt.s32 v43, $0x7BFFF;
	v58 =	vld [tilespmem:$0xE0];
	v57 =	vadd.s32 $0xFFF84000, v43;
	v56 =	vsel vm10, v54, v40;
	[tilespmem:$0x2A0] =	vst v53  }
0x39: {  	vm12 =	vgt.s32 v46, $0x7BFFF;
	v61 =	vld [tilespmem:$0x2E0];
	v60 =	vadd.s32 $0xFFF84000, v46;
	v59 =	vsel vm11, v57, v43;
	[tilespmem:$0xB0] =	vst v56  }
0x3a: {  	v9 =	vld [tilespmem:$0xF0];
	v62 =	vsel vm12, v60, v46;
	[tilespmem:$0x2B0] =	vst v59;
	vm13 =	vgt.s32 v49, $0x7BFFF;
	v63 =	vadd.s32 $0xFFF84000, v49  }
0x3b: {  	v12 =	vld [tilespmem:$0x2F0];
	[tilespmem:$0xC0] =	vst v62;
	vm14 =	vgt.s32 v52, $0x7BFFF;
	v11 =	vadd.s32 $0xFFF84000, v52;
	v10 =	vsel vm13, v63, v49  }
0x3c: {  	v15 =	vld [tilespmem:$0x100];
	vm15 =	vgt.s32 v55, $0x7BFFF;
	v14 =	vadd.s32 $0xFFF84000, v55;
	v13 =	vsel vm14, v11, v52;
	[tilespmem:$0x2C0] =	vst v10  }
0x3d: {  	v18 =	vld [tilespmem:$0x300];
	vm4 =	vgt.s32 v58, $0x7BFFF;
	v17 =	vadd.s32 $0xFFF84000, v58;
	v16 =	vsel vm15, v14, v55;
	[tilespmem:$0xD0] =	vst v13  }
0x3e: {  	v21 =	vld [tilespmem:$0x110];
	vm5 =	vgt.s32 v61, $0x7BFFF;
	v20 =	vadd.s32 $0xFFF84000, v61;
	v19 =	vsel vm4, v17, v58;
	[tilespmem:$0x2D0] =	vst v16  }
0x3f: {  	v24 =	vld [tilespmem:$0x310];
	vm6 =	vgt.s32 v9, $0x7BFFF;
	v23 =	vadd.s32 $0xFFF84000, v9;
	v22 =	vsel vm5, v20, v61;
	[tilespmem:$0xE0] =	vst v19  }
0x40: {  	v27 =	vld [tilespmem:$0x120];
	vm7 =	vgt.s32 v12, $0x7BFFF;
	v26 =	vadd.s32 $0xFFF84000, v12;
	v25 =	vsel vm6, v23, v9;
	[tilespmem:$0x2E0] =	vst v22  }
0x41: {  	v30 =	vld [tilespmem:$0x320];
	vm8 =	vgt.s32 v15, $0x7BFFF;
	v29 =	vadd.s32 $0xFFF84000, v15;
	v28 =	vsel vm7, v26, v12;
	[tilespmem:$0xF0] =	vst v25  }
0x42: {  	v33 =	vld [tilespmem:$0x130];
	vm9 =	vgt.s32 v18, $0x7BFFF;
	v32 =	vadd.s32 $0xFFF84000, v18;
	v31 =	vsel vm8, v29, v15;
	[tilespmem:$0x2F0] =	vst v28  }
0x43: {  	v36 =	vld [tilespmem:$0x330];
	vm10 =	vgt.s32 v21, $0x7BFFF;
	v35 =	vadd.s32 $0xFFF84000, v21;
	v34 =	vsel vm9, v32, v18;
	[tilespmem:$0x100] =	vst v31  }
0x44: {  	v39 =	vld [tilespmem:$0x140];
	vm11 =	vgt.s32 v24, $0x7BFFF;
	v38 =	vadd.s32 $0xFFF84000, v24;
	v37 =	vsel vm10, v35, v21;
	[tilespmem:$0x300] =	vst v34  }
0x45: {  	v42 =	vld [tilespmem:$0x340];
	v40 =	vsel vm11, v38, v24;
	vm12 =	vgt.s32 v27, $0x7BFFF;
	v41 =	vadd.s32 $0xFFF84000, v27;
	[tilespmem:$0x110] =	vst v37  }
0x46: {  	v45 =	vld [tilespmem:$0x150];
	vm13 =	vgt.s32 v30, $0x7BFFF;
	v44 =	vadd.s32 $0xFFF84000, v30;
	[tilespmem:$0x310] =	vst v40;
	v43 =	vsel vm12, v41, v27  }
0x47: {  	v48 =	vld [tilespmem:$0x350];
	vm14 =	vgt.s32 v33, $0x7BFFF;
	v47 =	vadd.s32 $0xFFF84000, v33;
	v46 =	vsel vm13, v44, v30;
	[tilespmem:$0x120] =	vst v43  }
0x48: {  	v51 =	vld [tilespmem:$0x160];
	vm15 =	vgt.s32 v36, $0x7BFFF;
	v50 =	vadd.s32 $0xFFF84000, v36;
	v49 =	vsel vm14, v47, v33;
	[tilespmem:$0x320] =	vst v46  }
0x49: {  	v54 =	vld [tilespmem:$0x360];
	vm4 =	vgt.s32 v39, $0x7BFFF;
	v53 =	vadd.s32 $0xFFF84000, v39;
	v52 =	vsel vm15, v50, v36;
	[tilespmem:$0x130] =	vst v49  }
0x4a: {  	v57 =	vld [tilespmem:$0x170];
	vm5 =	vgt.s32 v42, $0x7BFFF;
	v56 =	vadd.s32 $0xFFF84000, v42;
	v55 =	vsel vm4, v53, v39;
	[tilespmem:$0x330] =	vst v52  }
0x4b: {  	v60 =	vld [tilespmem:$0x370];
	vm6 =	vgt.s32 v45, $0x7BFFF;
	v59 =	vadd.s32 $0xFFF84000, v45;
	v58 =	vsel vm5, v56, v42;
	[tilespmem:$0x140] =	vst v55  }
0x4c: {  	v63 =	vld [tilespmem:$0x180];
	v61 =	vsel vm6, v59, v45;
	vm7 =	vgt.s32 v48, $0x7BFFF;
	v62 =	vadd.s32 $0xFFF84000, v48;
	[tilespmem:$0x340] =	vst v58  }
0x4d: {  	vm8 =	vgt.s32 v51, $0x7BFFF;
	v9 =	vadd.s32 $0xFFF84000, v51;
	v10 =	vld [tilespmem:$0x380];
	[tilespmem:$0x150] =	vst v61;
	v8 =	vsel vm7, v62, v48  }
0x4e: {  	vm9 =	vgt.s32 v54, $0x7BFFF;
	v12 =	vadd.s32 $0xFFF84000, v54;
	v13 =	vld [tilespmem:$0x190];
	v11 =	vsel vm8, v9, v51;
	[tilespmem:$0x350] =	vst v8  }
0x4f: {  	vm10 =	vgt.s32 v57, $0x7BFFF;
	v15 =	vadd.s32 $0xFFF84000, v57;
	v16 =	vld [tilespmem:$0x390];
	v14 =	vsel vm9, v12, v54;
	[tilespmem:$0x160] =	vst v11  }
0x50: {  	vm11 =	vgt.s32 v60, $0x7BFFF;
	v18 =	vadd.s32 $0xFFF84000, v60;
	v19 =	vld [tilespmem:$0x1A0];
	v17 =	vsel vm10, v15, v57;
	[tilespmem:$0x360] =	vst v14  }
0x51: {  	v22 =	vld [tilespmem:$0x3A0];
	v20 =	vsel vm11, v18, v60;
	[tilespmem:$0x170] =	vst v17;
	vm12 =	vgt.s32 v63, $0x7BFFF;
	v21 =	vadd.s32 $0xFFF84000, v63  }
0x52: {  	v25 =	vld [tilespmem:$0x1B0];
	[tilespmem:$0x370] =	vst v20;
	v23 =	vsel vm12, v21, v63;
	vm13 =	vgt.s32 v10, $0x7BFFF;
	v24 =	vadd.s32 $0xFFF84000, v10  }
0x53: {  	v28 =	vld [tilespmem:$0x3B0];
	vm14 =	vgt.s32 v13, $0x7BFFF;
	v27 =	vadd.s32 $0xFFF84000, v13;
	[tilespmem:$0x180] =	vst v23;
	v26 =	vsel vm13, v24, v10  }
0x54: {  	v31 =	vld [tilespmem:$0x1C0];
	vm15 =	vgt.s32 v16, $0x7BFFF;
	v30 =	vadd.s32 $0xFFF84000, v16;
	v29 =	vsel vm14, v27, v13;
	[tilespmem:$0x380] =	vst v26  }
0x55: {  	v34 =	vld [tilespmem:$0x3C0];
	vm4 =	vgt.s32 v19, $0x7BFFF;
	v33 =	vadd.s32 $0xFFF84000, v19;
	v32 =	vsel vm15, v30, v16;
	[tilespmem:$0x190] =	vst v29  }
0x56: {  	v37 =	vld [tilespmem:$0x1D0];
	vm5 =	vgt.s32 v22, $0x7BFFF;
	v36 =	vadd.s32 $0xFFF84000, v22;
	v35 =	vsel vm4, v33, v19;
	[tilespmem:$0x390] =	vst v32  }
0x57: {  	v40 =	vld [tilespmem:$0x3D0];
	vm6 =	vgt.s32 v25, $0x7BFFF;
	v39 =	vadd.s32 $0xFFF84000, v25;
	v38 =	vsel vm5, v36, v22;
	[tilespmem:$0x1A0] =	vst v35  }
0x58: {  	v43 =	vld [tilespmem:$0x1E0];
	vm7 =	vgt.s32 v28, $0x7BFFF;
	v42 =	vadd.s32 $0xFFF84000, v28;
	v41 =	vsel vm6, v39, v25;
	[tilespmem:$0x3A0] =	vst v38  }
0x59: {  	v46 =	vld [tilespmem:$0x3E0];
	vm8 =	vgt.s32 v31, $0x7BFFF;
	v45 =	vadd.s32 $0xFFF84000, v31;
	v44 =	vsel vm7, v42, v28;
	[tilespmem:$0x1B0] =	vst v41  }
0x5a: {  	v49 =	vld [tilespmem:$0x1F0];
	vm9 =	vgt.s32 v34, $0x7BFFF;
	v48 =	vadd.s32 $0xFFF84000, v34;
	v47 =	vsel vm8, v45, v31;
	[tilespmem:$0x3B0] =	vst v44  }
0x5b: {  	v52 =	vld [tilespmem:$0x3F0];
	vm10 =	vgt.s32 v37, $0x7BFFF;
	v51 =	vadd.s32 $0xFFF84000, v37;
	v50 =	vsel vm9, v48, v34;
	[tilespmem:$0x1C0] =	vst v47  }
0x5c: {  	vm11 =	vgt.s32 v40, $0x7BFFF;
	v54 =	vadd.s32 $0xFFF84000, v40;
	v53 =	vsel vm10, v51, v37;
	[tilespmem:$0x3C0] =	vst v50  }
0x5d: {  	v55 =	vsel vm11, v54, v40;
	vm12 =	vgt.s32 v43, $0x7BFFF;
	v56 =	vadd.s32 $0xFFF84000, v43;
	[tilespmem:$0x1D0] =	vst v53  }
0x5e: {  	vm13 =	vgt.s32 v46, $0x7BFFF;
	v58 =	vadd.s32 $0xFFF84000, v46;
	[tilespmem:$0x3D0] =	vst v55;
	v57 =	vsel vm12, v56, v43  }
0x5f: {  	vm14 =	vgt.s32 v49, $0x7BFFF;
	v60 =	vadd.s32 $0xFFF84000, v49;
	v59 =	vsel vm13, v58, v46;
	[tilespmem:$0x1E0] =	vst v57  }
0x60: {  	vm15 =	vgt.s32 v52, $0x7BFFF;
	v62 =	vadd.s32 $0xFFF84000, v52;
	v61 =	vsel vm14, v60, v49;
	[tilespmem:$0x3E0] =	vst v59  }
0x61: {  	v63 =	vsel vm15, v62, v52;
	[tilespmem:$0x1F0] =	vst v61  }
0x62: {  	[tilespmem:$0x3F0] =	vst v63  }
0x63: {  	[tilespmem:s18], [sflag:$0x1] =	stream.indirect.gather [hbm4b:s3+s17], $0x80, s2, s17, $0xb8;
	[tilespmem:$0x10400] =	vst v63  }
0x64: {  	_ = 	snop  }
0x65: {  	[tilespmem:s19], [sflag:$0x1] =	stream.indirect.gather [hbm4b:s3+s17], $0x80, s16, s17, $0xb8;
	[tilespmem:$0x10400] =	vst v63  }
0x66: {  	_ = 	snop  }
0x67: {  	[tilespmem:s20], [sflag:$0x1] =	stream.indirect.gather [hbm4b:s3+s17], $0x80, s17, s17, $0xb8;
	[tilespmem:$0x10400] =	vst v63  }
0x68: {  	_ = 	snop  }
0x69: {  	[tilespmem:s22], [sflag:$0x1] =	stream.indirect.gather [hbm4b:s3+s17], $0x80, s21, s17, $0xb8;
	[tilespmem:$0x10400] =	vst v63  }
0x6a: {  	_ =	swait.ge [sflag:s23], $0x4000  }
0x6b: {  	[sflag:s23] =	ssyncset.done $0x0  }
0x6c: {  	[sflag:s23] =	ssyncadd.s32 $0xFFFFC000  }
0x6d: {  	_ =	swait.ge [sflag:s23], $0x4000  }
0x6e: {  	[sflag:s23] =	ssyncset.done $0x0  }
0x6f: {  	[sflag:s23] =	ssyncadd.s32 $0xFFFFC000  }
0x70: {  	[hbm4b:s6+s2] =	stream.linear.scatter [tilespmem:s18], [sflag:$0x2], $0x4000, $0x38;
	[tilespmem:$0x10400] =	vst v63  }
0x71: {  	_ = 	snop  }
0x72: {  	[hbm4b:s7+s2] =	stream.linear.scatter [tilespmem:s19], [sflag:$0x2], $0x4000, $0x38;
	[tilespmem:$0x10400] =	vst v63  }
0x73: {  	_ =	swait.ge [sflag:s24], $0x4000  }
0x74: {  	[sflag:s24] =	ssyncset.done $0x0  }
0x75: {  	[sflag:s24] =	ssyncadd.s32 $0xFFFFC000  }
0x76: {  	_ =	swait.ge [sflag:s24], $0x4000  }
0x77: {  	[sflag:s24] =	ssyncset.done $0x0  }
0x78: {  	[sflag:s24] =	ssyncadd.s32 $0xFFFFC000  }
0x79: {  	[tilespmem:s18], [sflag:$0x1] =	stream.indirect.gather [hbm4b:s3+s17], $0x80, s25, s17, $0xb8;
	[tilespmem:$0x10400] =	vst v63  }
0x7a: {  	_ = 	snop  }
0x7b: {  	[tilespmem:s19], [sflag:$0x1] =	stream.indirect.gather [hbm4b:s3+s17], $0x80, s26, s17, $0xb8;
	[tilespmem:$0x10400] =	vst v63  }
0x7c: {  	_ =	swait.ge [sflag:s23], $0x4000  }
0x7d: {  	[sflag:s23] =	ssyncset.done $0x0  }
0x7e: {  	[sflag:s23] =	ssyncadd.s32 $0xFFFFC000  }
0x7f: {  	_ =	swait.ge [sflag:s23], $0x4000  }
0x80: {  	[sflag:s23] =	ssyncset.done $0x0  }
0x81: {  	[sflag:s23] =	ssyncadd.s32 $0xFFFFC000  }
0x82: {  	[hbm4b:s8+s2] =	stream.linear.scatter [tilespmem:s20], [sflag:$0x2], $0x4000, $0x38;
	[tilespmem:$0x10400] =	vst v63  }
0x83: {  	_ = 	snop  }
0x84: {  	[hbm4b:s9+s2] =	stream.linear.scatter [tilespmem:s22], [sflag:$0x2], $0x4000, $0x38;
	[tilespmem:$0x10400] =	vst v63  }
0x85: {  	_ =	swait.ge [sflag:s24], $0x4000  }
0x86: {  	[sflag:s24] =	ssyncset.done $0x0  }
0x87: {  	[sflag:s24] =	ssyncadd.s32 $0xFFFFC000  }
0x88: {  	_ =	swait.ge [sflag:s24], $0x4000  }
0x89: {  	[sflag:s24] =	ssyncset.done $0x0  }
0x8a: {  	[sflag:s24] =	ssyncadd.s32 $0xFFFFC000  }
0x8b: {  	[tilespmem:s20], [sflag:$0x1] =	stream.indirect.gather [hbm4b:s3+s17], $0x80, s28, s17, $0xb8;
	[tilespmem:$0x10400] =	vst v63  }
0x8c: {  	_ = 	snop  }
0x8d: {  	[tilespmem:s22], [sflag:$0x1] =	stream.indirect.gather [hbm4b:s3+s17], $0x80, s29, s17, $0xb8;
	[tilespmem:$0x10400] =	vst v63  }
0x8e: {  	_ =	swait.ge [sflag:s23], $0x4000  }
0x8f: {  	[sflag:s23] =	ssyncset.done $0x0  }
0x90: {  	[sflag:s23] =	ssyncadd.s32 $0xFFFFC000  }
0x91: {  	_ =	swait.ge [sflag:s23], $0x4000  }
0x92: {  	[sflag:s23] =	ssyncset.done $0x0  }
0x93: {  	[sflag:s23] =	ssyncadd.s32 $0xFFFFC000  }
0x94: {  	[hbm4b:s10+s2] =	stream.linear.scatter [tilespmem:s18], [sflag:$0x2], $0x4000, $0x38;
	[tilespmem:$0x10400] =	vst v63  }
0x95: {  	_ = 	snop  }
0x96: {  	[hbm4b:s11+s2] =	stream.linear.scatter [tilespmem:s19], [sflag:$0x2], $0x4000, $0x38;
	[tilespmem:$0x10400] =	vst v63  }
0x97: {  	_ =	swait.ge [sflag:s23], $0x4000  }
0x98: {  	[sflag:s23] =	ssyncset.done $0x0  }
0x99: {  	[sflag:s23] =	ssyncadd.s32 $0xFFFFC000  }
0x9a: {  	_ =	swait.ge [sflag:s23], $0x4000  }
0x9b: {  	[sflag:s23] =	ssyncset.done $0x0  }
0x9c: {  	[sflag:s23] =	ssyncadd.s32 $0xFFFFC000  }
0x9d: {  	[hbm4b:s12+s2] =	stream.linear.scatter [tilespmem:s20], [sflag:$0x2], $0x4000, $0x38;
	[tilespmem:$0x10400] =	vst v63  }
0x9e: {  	_ = 	snop  }
0x9f: {  	[hbm4b:s13+s2] =	stream.linear.scatter [tilespmem:s22], [sflag:$0x2], $0x4000, $0x38;
	[tilespmem:$0x10400] =	vst v63  }
0xa0: {  	_ =	swait.ge [sflag:s24], $0x4000  }
0xa1: {  	[sflag:s24] =	ssyncset.done $0x0  }
0xa2: {  	[sflag:s24] =	ssyncadd.s32 $0xFFFFC000  }
0xa3: {  	_ =	swait.ge [sflag:s24], $0x4000  }
0xa4: {  	[sflag:s24] =	ssyncset.done $0x0  }
0xa5: {  	[sflag:s24] =	ssyncadd.s32 $0xFFFFC000  }
0xa6: {  	p0 =	sne.s32 s14, $0x1;
	_ =	swait.ge [sflag:s24], $0x4000  }
.Ltmp0:
0xa7: {  	[sflag:s24] =	ssyncset.done $0x0;
	(pc) =	sbr.rel @p0 .LBB2_1-.Ltmp0, $4  }
0xa8: {  	[sflag:s24] =	ssyncadd.s32 $0xFFFFC000  }
0xa9: {  	_ =	swait.ge [sflag:s24], $0x4000  }
0xaa: {  	[sflag:s24] =	ssyncset.done $0x0  }
0xab: {  	s14 =	sadd.s32 $0xFFFFFFFF, s14;
	[sflag:s24] =	ssyncadd.s32 $0xFFFFC000  }
0xac: {  	_ =	sfence.sel $0x180000  }
0xad: {  	[bflag:$0x0] =	sbarrier.arrive $0xFFFF  }
0xae: {  	p0 =	sne.s32 s1, $0x0;
	_ =	strace $0x90000047  }
0xaf: {  	s0 =	sadd.s32 @!p0 $0x100000, s0;
	[bflag:$0x2] =	sbarrier.arrive $0xFFFF  }
0xb0: {  	[sflag:s0] =	ssyncadd.tile.s32 @!p0 $0x1;
	_ =	shalt  }
.Lfunc_end2:
_tile_overlayer_lowered:
.L_overlay_start_2:
0xb1: {  	(tag) =	ssettag $0x2  }
0xb2: {  	s0 =	rddreg [dreg:$0x0];
	s2 =	stileid.u32  }
0xb3: {  	s1 =	rddreg [dreg:$0x1];
	p0 =	sne.s32 s2, $0x0  }
0xb4: {  	s3 =	rddreg [dreg:$0x2];
	[bflag:$0x3] =	sbarrier.arrive $0xFFFF;
	s2 =	simm.s32 @!p0 $0x1C03  }
0xb5: {  	[timem:s3], [sflag:s2] =	dma.local @!p0 [hbm:s0], s1  }
0xb6: {  	s0 =	simm.s32 @!p0 $0x3  }
0xb7: {  	_ =	swait.ge @!p0 [sflag:s0], s1  }
0xb8: {  	s1 =	ssub.s32 @!p0 $0x0, s1;
	[sflag:s0] =	ssyncset.done @!p0 $0x0  }
0xb9: {  	[sflag:s0] =	ssyncadd.s32 @!p0 s1  }
0xba: {  	[bflag:$0x3] =	sbarrier.arrive $0xFFFF  }
0xbb: {  	_ =	shalt  }

</sc_bundles>
